<compile_context>
chip_gen: v7x
topology: tpu7x:2x2x1
jax: 0.10.2.dev20260603
libtpu: 0.0.44.dev20260713+nightly
codegen_flags: <defaults>
</compile_context>

<pallas_src>
import functools

import jax
import jax.numpy as jnp
from jax import lax
from jax.experimental import pallas as pl
from jax.experimental.pallas import tpu as pltpu
from jax.experimental.pallas import tpu_sc as plsc

NODE_NUM = 10000
NHID = 128
E_SUB = 320000
LANES = 16

NC = 2
NS = 16
NW = NC * NS
EPW = E_SUB // NW
CHUNK = 40
EPW_PAD = 10000
NPAIR = EPW_PAD // (2 * CHUNK)
NODE_PAD = 10112
ROWS_PER_TILE = NODE_PAD // NS



def _sc_aggregate(edge_emb, ph, idx_r):
    mesh = plsc.VectorSubcoreMesh(core_axis_name="c", subcore_axis_name="s")

    @functools.partial(
        pl.kernel,
        out_type=jax.ShapeDtypeStruct((NC, NODE_PAD, NHID), jnp.float32),
        mesh=mesh,
        scratch_types=[
            pltpu.VMEM((6, CHUNK), jnp.int32),
            pltpu.VMEM((6, CHUNK), jnp.int32),
            pltpu.VMEM((CHUNK, NHID), jnp.float32),
            pltpu.VMEM((CHUNK, NHID), jnp.float32),
            pltpu.VMEM((CHUNK, NHID), jnp.float32),
            pltpu.VMEM((CHUNK, NHID), jnp.float32),
            pltpu.VMEM((CHUNK, NHID), jnp.float32),
            pltpu.VMEM((CHUNK, NHID), jnp.float32),
            pltpu.VMEM((CHUNK,), jnp.int32),
            pltpu.VMEM_SHARED((NODE_PAD, NHID), jnp.float32),
            pltpu.SemaphoreType.DMA,
            pltpu.SemaphoreType.DMA,
            pltpu.SemaphoreType.DMA,
            pltpu.SemaphoreType.DMA,
            pltpu.SemaphoreType.DMA,
            pltpu.SemaphoreType.DMA,
            pltpu.SemaphoreType.DMA,
        ],
    )
    def k(edge_emb_h, ph_h, idx_h, out_h,
          i0, i1, ef0, ef1, nf0, nf1, mg0, mg1, ti, acc,
          se0, se1, sn0, sn1, ss0, ss1, si):
        c = lax.axis_index("c")
        s = lax.axis_index("s")
        wid = s * NC + c

        efs = (ef0, ef1)
        nfs = (nf0, nf1)
        mgs = (mg0, mg1)
        ses = (se0, se1)
        sns = (sn0, sn1)
        sss = (ss0, ss1)

        def issue(I, b):
            pltpu.async_copy(edge_emb_h.at[I.at[0 + b]], efs[b], ses[b])
            pltpu.async_copy(ph_h.at[I.at[2 + b]], nfs[b], sns[b])

        def wait(b):
            pltpu.make_async_copy(
                edge_emb_h.at[pl.ds(0, CHUNK)], efs[b], ses[b]).wait()
            pltpu.make_async_copy(
                ph_h.at[pl.ds(0, CHUNK)], nfs[b], sns[b]).wait()

        def wait_sc(b):
            pltpu.make_async_copy(
                edge_emb_h.at[pl.ds(0, CHUNK)], mgs[b], sss[b]).wait()

        def compute(b):
            ef = efs[b]
            nf = nfs[b]
            mg = mgs[b]

            def row_body(r, rc):
                for j in range(NHID // LANES):
                    sl = pl.ds(j * LANES, LANES)
                    mg[r, sl] = ef[r, sl] * nf[r, sl]
                return rc

            lax.fori_loop(0, CHUNK, row_body, 0)

        def scatter(I, b):
            pltpu.async_copy(mgs[b], acc.at[I.at[4 + b]], sss[b], add=True)

        def half(o, Icur, Inext):
            pltpu.async_copy(idx_h.at[wid, o + 1], Inext, si)
            for b in (0, 1):
                wait(b)
                wait_sc(b)
                compute(b)
                if b == 0:
                    pltpu.make_async_copy(
                        idx_h.at[wid, 0], Inext, si).wait()
                issue(Inext, b)
                scatter(Icur, b)

        iota = lax.iota(jnp.int32, LANES)
        ti[pl.ds(0, LANES)] = iota + NODE_NUM
        ti[pl.ds(LANES, LANES)] = iota + (NODE_NUM + LANES)
        ti[pl.ds(CHUNK - LANES, LANES)] = iota + (NODE_NUM + CHUNK - LANES)
        pltpu.async_copy(mg0, acc.at[ti], ss0, add=True)
        pltpu.async_copy(mg1, acc.at[ti], ss1, add=True)

        zf = jnp.zeros((LANES,), jnp.float32)

        def zrow(r, rc):
            for j in range(NHID // LANES):
                mg0[r, pl.ds(j * LANES, LANES)] = zf
            return rc

        lax.fori_loop(0, CHUNK, zrow, 0)
        base = s * ROWS_PER_TILE

        def zcopy(kk, rc):
            pltpu.sync_copy(mg0, acc.at[pl.ds(base + kk * CHUNK, CHUNK)])
            return rc

        lax.fori_loop(0, ROWS_PER_TILE // CHUNK, zcopy, 0)
        tail = ROWS_PER_TILE % CHUNK
        pltpu.sync_copy(mg0.at[pl.ds(0, tail)],
                        acc.at[pl.ds(base + ROWS_PER_TILE - tail, tail)])
        rows = pl.ds(base, ROWS_PER_TILE)
        plsc.subcore_barrier()

        pltpu.sync_copy(idx_h.at[wid, 0], i0)
        issue(i0, 0)
        issue(i0, 1)

        def outer(oo, carry):
            half(2 * oo, i0, i1)
            half(2 * oo + 1, i1, i0)
            return carry

        lax.fori_loop(0, (NPAIR - 1) // 2, outer, 0)

        for b in (0, 1):
            wait(b)
            wait_sc(b)
            compute(b)
            scatter(i0, b)

        wait_sc(0)
        wait_sc(1)
        plsc.subcore_barrier()
        pltpu.sync_copy(acc.at[rows], out_h.at[c, rows])

    return k(edge_emb, ph, idx_r)


BLK = 1000


def _tc_update(acc2, ph, W, b2):
    def body(a_ref, ph_ref, w_ref, b_ref, o_ref):
        x = a_ref[0] + a_ref[1]
        h = jnp.dot(x, w_ref[...], preferred_element_type=jnp.float32)
        h = jnp.maximum(h + b_ref[...], 0.0)
        o_ref[...] = h + ph_ref[...]

    return pl.pallas_call(
        body,
        grid=(NODE_NUM // BLK,),
        in_specs=[
            pl.BlockSpec((NC, BLK, NHID), lambda i: (0, i, 0)),
            pl.BlockSpec((BLK, NHID), lambda i: (i, 0)),
            pl.BlockSpec((NHID, NHID), lambda i: (0, 0)),
            pl.BlockSpec((1, NHID), lambda i: (0, 0)),
        ],
        out_specs=pl.BlockSpec((BLK, NHID), lambda i: (i, 0)),
        out_shape=jax.ShapeDtypeStruct((NODE_NUM, NHID), jnp.float32),
    )(acc2, ph, W, b2)


def _split_edges(x):
    return x.reshape(NW, NPAIR, 2, CHUNK)


def kernel(projection_head, sub_edge, edge2index, edge_embedding, W, b):
    e2i = _split_edges(edge2index)
    src = _split_edges(sub_edge[0])
    dst = _split_edges(sub_edge[1])
    idx_r = jnp.concatenate([e2i, src, dst], axis=2)
    acc2 = _sc_aggregate(edge_embedding, projection_head, idx_r)
    return _tc_update(acc2, projection_head, W, b.reshape(1, NHID))

# --- scband reference (transcript-rebuilt; emitter-appended) ---
"""Pipeline reference for scband-spgnn-45844480918203 (READ-ONLY COPY).

The authoritative reference and input builder live on the scoring server;
editing this copy changes nothing except your own understanding.
"""

import jax, jax.numpy as jnp
import numpy as np

NODE_NUM = 10000
NHID = 128
EDGE_NUM = 320000
E_SUB = 320000

def setup_inputs(seed: int = 0) -> dict:
    key = jax.random.key(seed)
    k1, k2, k3, k4, k5 = jax.random.split(key, 5)
    projection_head = jax.random.normal(k1, (NODE_NUM, NHID), dtype=jnp.float32)
    sub_edge = jax.random.randint(k2, (2, E_SUB), 0, NODE_NUM, dtype=jnp.int32)
    edge2index = jax.random.randint(k3, (E_SUB,), 0, EDGE_NUM, dtype=jnp.int32)
    # learned parameters of SPGNNLayers (edge embedding table + linear)
    edge_embedding = jax.random.normal(k4, (EDGE_NUM, NHID), dtype=jnp.float32) * 0.02
    W = jax.random.normal(k5, (NHID, NHID), dtype=jnp.float32) * (1.0 / np.sqrt(NHID))
    b = jnp.zeros((NHID,), dtype=jnp.float32)
    return {"projection_head": projection_head, "sub_edge": sub_edge,
            "edge2index": edge2index, "edge_embedding": edge_embedding,
            "W": W, "b": b}

def reference(projection_head, sub_edge, edge2index, edge_embedding, W, b):
    node_num = projection_head.shape[0]
    src = sub_edge[0]
    dst = sub_edge[1]
    # gather edge-type embeddings for the subgraph's edges
    e_feat = jnp.take(edge_embedding, edge2index, axis=0)          # [E, nhid]
    # message = source node feature modulated by edge embedding
    msg = jnp.take(projection_head, src, axis=0) * e_feat           # [E, nhid]
    # scatter-add messages to destination nodes
    agg = jax.ops.segment_sum(msg, dst, num_segments=node_num)      # [N, nhid]
    # node update: linear + relu with residual connection
    h = jax.nn.relu(agg @ W + b)
    out = h + projection_head
    return out

if __name__ == "__main__":
    import jax
    _d = setup_inputs()
    print(jax.jit(kernel)(*tuple(_d.values())))

</pallas_src>

<mosaic_0001>
#map = affine_map<(d0, d1) -> (0, 0)>
#map1 = affine_map<(d0, d1) -> (0, 0, 0, 0)>
#map2 = affine_map<(d0, d1) -> (0, 0, 0)>
module attributes {stable_mosaic.version = 14 : i64} {
  func.func @k(%arg0: i32, %arg1: i32, %arg2: memref<320000x128xf32, #tpu.memory_space<hbm>>, %arg3: memref<10000x128xf32, #tpu.memory_space<hbm>>, %arg4: memref<32x125x6x40xi32, #tpu.memory_space<hbm>>, %arg5: memref<2x10112x128xf32, #tpu.memory_space<hbm>>, %arg6: memref<6x40xi32, #tpu.memory_space<vmem>>, %arg7: memref<6x40xi32, #tpu.memory_space<vmem>>, %arg8: memref<40x128xf32, #tpu.memory_space<vmem>>, %arg9: memref<40x128xf32, #tpu.memory_space<vmem>>, %arg10: memref<40x128xf32, #tpu.memory_space<vmem>>, %arg11: memref<40x128xf32, #tpu.memory_space<vmem>>, %arg12: memref<40x128xf32, #tpu.memory_space<vmem>>, %arg13: memref<40x128xf32, #tpu.memory_space<vmem>>, %arg14: memref<40xi32, #tpu.memory_space<vmem>>, %arg15: memref<10112x128xf32, #tpu.memory_space<vmem_shared>>, %arg16: memref<!tpu.dma_semaphore, #tpu.memory_space<semaphore_mem>>, %arg17: memref<!tpu.dma_semaphore, #tpu.memory_space<semaphore_mem>>, %arg18: memref<!tpu.dma_semaphore, #tpu.memory_space<semaphore_mem>>, %arg19: memref<!tpu.dma_semaphore, #tpu.memory_space<semaphore_mem>>, %arg20: memref<!tpu.dma_semaphore, #tpu.memory_space<semaphore_mem>>, %arg21: memref<!tpu.dma_semaphore, #tpu.memory_space<semaphore_mem>>, %arg22: memref<!tpu.dma_semaphore, #tpu.memory_space<semaphore_mem>>) attributes {dimension_semantics = [#tpu.dimension_semantics<core_parallel>, #tpu.dimension_semantics<subcore_parallel>], iteration_bounds = array<i64: 2, 16>, scalar_prefetch = 0 : i64, scratch_operands = 17 : i64, tpu.core_type = #tpu.core_type<sc_vector_subcore>, window_params = [{transform_indices = #map}, {transform_indices = #map}, {transform_indices = #map1}, {transform_indices = #map2}]} {
    %mul3A = arith.constant 2 : i32
    %mul3A_0 = arith.muli %arg1, %mul3A : i32
    %add3A = arith.addi %mul3A_0, %arg0 : i32
    %iota3A = tpu.iota {dimensions = array<i32: 0>} : vector<16xi32>
    %add3A_1 = arith.constant 10000 : i32
    %add3A_2 = vector.broadcast %add3A_1 : i32 to vector<16xi32>
    %add3A_3 = arith.addi %iota3A, %add3A_2 : vector<16xi32>
    %swap3A = arith.constant 0 : index
    %swap3A_4 = tpu.vector_load %arg14[%swap3A] {strides = array<i32>} : memref<40xi32, #tpu.memory_space<vmem>>, vector<16xi32>,
    %swap3A_5 = vector.shape_cast %swap3A_4 : vector<16xi32> to vector<16xi32>
    %swap3A_6 = vector.shape_cast %add3A_3 : vector<16xi32> to vector<16xi32>
    tpu.vector_store %arg14[%swap3A], %swap3A_6 {strides = array<i32>} : memref<40xi32, #tpu.memory_space<vmem>>, vector<16xi32>,
    %add3A_7 = arith.constant 10016 : i32
    %add3A_8 = vector.broadcast %add3A_7 : i32 to vector<16xi32>
    %add3A_9 = arith.addi %iota3A, %add3A_8 : vector<16xi32>
    %swap3A_10 = arith.constant 16 : index
    %swap3A_11 = tpu.vector_load %arg14[%swap3A_10] {strides = array<i32>} : memref<40xi32, #tpu.memory_space<vmem>>, vector<16xi32>,
    %swap3A_12 = vector.shape_cast %swap3A_11 : vector<16xi32> to vector<16xi32>
    %swap3A_13 = vector.shape_cast %add3A_9 : vector<16xi32> to vector<16xi32>
    tpu.vector_store %arg14[%swap3A_10], %swap3A_13 {strides = array<i32>} : memref<40xi32, #tpu.memory_space<vmem>>, vector<16xi32>,
    %add3A_14 = arith.constant 10024 : i32
    %add3A_15 = vector.broadcast %add3A_14 : i32 to vector<16xi32>
    %add3A_16 = arith.addi %iota3A, %add3A_15 : vector<16xi32>
    %swap3A_17 = arith.constant 24 : index
    %swap3A_18 = tpu.vector_load %arg14[%swap3A_17] {strides = array<i32>} : memref<40xi32, #tpu.memory_space<vmem>>, vector<16xi32>,
    %swap3A_19 = vector.shape_cast %swap3A_18 : vector<16xi32> to vector<16xi32>
    %swap3A_20 = vector.shape_cast %add3A_16 : vector<16xi32> to vector<16xi32>
    tpu.vector_store %arg14[%swap3A_17], %swap3A_20 {strides = array<i32>} : memref<40xi32, #tpu.memory_space<vmem>>, vector<16xi32>,
    %dma_start3A = arith.constant 0 : i32
    %dma_start3A_21 = arith.constant 0 : i32
    %dma_start3A_22 = tpu.memref_slice %arg15[%dma_start3A, %dma_start3A_21] : memref<10112x128xf32, #tpu.memory_space<vmem_shared>> -> memref<10112x128xf32, #tpu.memory_space<vmem_shared>>
    tpu.enqueue_indirect_dma source(%arg12 : memref<40x128xf32, #tpu.memory_space<vmem>>) target(%dma_start3A_22 : memref<10112x128xf32, #tpu.memory_space<vmem_shared>>) offsets(%arg14 : memref<40xi32, #tpu.memory_space<vmem>>) semaphore(%arg20 : memref<!tpu.dma_semaphore, #tpu.memory_space<semaphore_mem>>) {add = true}
    %dma_start3A_23 = arith.constant 0 : i32
    %dma_start3A_24 = arith.constant 0 : i32
    %dma_start3A_25 = tpu.memref_slice %arg15[%dma_start3A_23, %dma_start3A_24] : memref<10112x128xf32, #tpu.memory_space<vmem_shared>> -> memref<10112x128xf32, #tpu.memory_space<vmem_shared>>
    tpu.enqueue_indirect_dma source(%arg13 : memref<40x128xf32, #tpu.memory_space<vmem>>) target(%dma_start3A_25 : memref<10112x128xf32, #tpu.memory_space<vmem_shared>>) offsets(%arg14 : memref<40xi32, #tpu.memory_space<vmem>>) semaphore(%arg21 : memref<!tpu.dma_semaphore, #tpu.memory_space<semaphore_mem>>) {add = true}
    %broadcast_in_dim3A = arith.constant 0.000000e+00 : f32
    %broadcast_in_dim3A_26 = vector.broadcast %broadcast_in_dim3A : f32 to vector<16xf32>
    %scan3A = arith.constant 0 : i32
    %scan3A_27 = arith.constant 0 : i32
    %scan3A_28 = arith.constant 40 : i32
    %scan3A_29 = arith.addi %scan3A_27, %scan3A_28 : i32
    %scan3A_30 = arith.constant 1 : i32
    scf.for %scan3A_151 = %scan3A_27 to %scan3A_29 step %scan3A_30  : i32 {
      %swap3A_152 = arith.index_cast %scan3A_151 : i32 to index
      %swap3A_153 = arith.constant 0 : index
      %swap3A_154 = tpu.vector_load %arg12[%swap3A_152, %swap3A_153] {strides = array<i32>} : memref<40x128xf32, #tpu.memory_space<vmem>>, vector<1x16xf32>,
      %swap3A_155 = vector.shape_cast %swap3A_154 : vector<1x16xf32> to vector<16xf32>
      %swap3A_156 = vector.shape_cast %broadcast_in_dim3A_26 : vector<16xf32> to vector<1x16xf32>
      tpu.vector_store %arg12[%swap3A_152, %swap3A_153], %swap3A_156 {strides = array<i32>} : memref<40x128xf32, #tpu.memory_space<vmem>>, vector<1x16xf32>,
      %swap3A_157 = arith.index_cast %scan3A_151 : i32 to index
      %swap3A_158 = arith.constant 16 : index
      %swap3A_159 = tpu.vector_load %arg12[%swap3A_157, %swap3A_158] {strides = array<i32>} : memref<40x128xf32, #tpu.memory_space<vmem>>, vector<1x16xf32>,
      %swap3A_160 = vector.shape_cast %swap3A_159 : vector<1x16xf32> to vector<16xf32>
      %swap3A_161 = vector.shape_cast %broadcast_in_dim3A_26 : vector<16xf32> to vector<1x16xf32>
      tpu.vector_store %arg12[%swap3A_157, %swap3A_158], %swap3A_161 {strides = array<i32>} : memref<40x128xf32, #tpu.memory_space<vmem>>, vector<1x16xf32>,
      %swap3A_162 = arith.index_cast %scan3A_151 : i32 to index
      %swap3A_163 = arith.constant 32 : index
      %swap3A_164 = tpu.vector_load %arg12[%swap3A_162, %swap3A_163] {strides = array<i32>} : memref<40x128xf32, #tpu.memory_space<vmem>>, vector<1x16xf32>,
      %swap3A_165 = vector.shape_cast %swap3A_164 : vector<1x16xf32> to vector<16xf32>
      %swap3A_166 = vector.shape_cast %broadcast_in_dim3A_26 : vector<16xf32> to vector<1x16xf32>
      tpu.vector_store %arg12[%swap3A_162, %swap3A_163], %swap3A_166 {strides = array<i32>} : memref<40x128xf32, #tpu.memory_space<vmem>>, vector<1x16xf32>,
      %swap3A_167 = arith.index_cast %scan3A_151 : i32 to index
      %swap3A_168 = arith.constant 48 : index
      %swap3A_169 = tpu.vector_load %arg12[%swap3A_167, %swap3A_168] {strides = array<i32>} : memref<40x128xf32, #tpu.memory_space<vmem>>, vector<1x16xf32>,
      %swap3A_170 = vector.shape_cast %swap3A_169 : vector<1x16xf32> to vector<16xf32>
      %swap3A_171 = vector.shape_cast %broadcast_in_dim3A_26 : vector<16xf32> to vector<1x16xf32>
      tpu.vector_store %arg12[%swap3A_167, %swap3A_168], %swap3A_171 {strides = array<i32>} : memref<40x128xf32, #tpu.memory_space<vmem>>, vector<1x16xf32>,
      %swap3A_172 = arith.index_cast %scan3A_151 : i32 to index
      %swap3A_173 = arith.constant 64 : index
      %swap3A_174 = tpu.vector_load %arg12[%swap3A_172, %swap3A_173] {strides = array<i32>} : memref<40x128xf32, #tpu.memory_space<vmem>>, vector<1x16xf32>,
      %swap3A_175 = vector.shape_cast %swap3A_174 : vector<1x16xf32> to vector<16xf32>
      %swap3A_176 = vector.shape_cast %broadcast_in_dim3A_26 : vector<16xf32> to vector<1x16xf32>
      tpu.vector_store %arg12[%swap3A_172, %swap3A_173], %swap3A_176 {strides = array<i32>} : memref<40x128xf32, #tpu.memory_space<vmem>>, vector<1x16xf32>,
      %swap3A_177 = arith.index_cast %scan3A_151 : i32 to index
      %swap3A_178 = arith.constant 80 : index
      %swap3A_179 = tpu.vector_load %arg12[%swap3A_177, %swap3A_178] {strides = array<i32>} : memref<40x128xf32, #tpu.memory_space<vmem>>, vector<1x16xf32>,
      %swap3A_180 = vector.shape_cast %swap3A_179 : vector<1x16xf32> to vector<16xf32>
      %swap3A_181 = vector.shape_cast %broadcast_in_dim3A_26 : vector<16xf32> to vector<1x16xf32>
      tpu.vector_store %arg12[%swap3A_177, %swap3A_178], %swap3A_181 {strides = array<i32>} : memref<40x128xf32, #tpu.memory_space<vmem>>, vector<1x16xf32>,
      %swap3A_182 = arith.index_cast %scan3A_151 : i32 to index
      %swap3A_183 = arith.constant 96 : index
      %swap3A_184 = tpu.vector_load %arg12[%swap3A_182, %swap3A_183] {strides = array<i32>} : memref<40x128xf32, #tpu.memory_space<vmem>>, vector<1x16xf32>,
      %swap3A_185 = vector.shape_cast %swap3A_184 : vector<1x16xf32> to vector<16xf32>
      %swap3A_186 = vector.shape_cast %broadcast_in_dim3A_26 : vector<16xf32> to vector<1x16xf32>
      tpu.vector_store %arg12[%swap3A_182, %swap3A_183], %swap3A_186 {strides = array<i32>} : memref<40x128xf32, #tpu.memory_space<vmem>>, vector<1x16xf32>,
      %swap3A_187 = arith.index_cast %scan3A_151 : i32 to index
      %swap3A_188 = arith.constant 112 : index
      %swap3A_189 = tpu.vector_load %arg12[%swap3A_187, %swap3A_188] {strides = array<i32>} : memref<40x128xf32, #tpu.memory_space<vmem>>, vector<1x16xf32>,
      %swap3A_190 = vector.shape_cast %swap3A_189 : vector<1x16xf32> to vector<16xf32>
      %swap3A_191 = vector.shape_cast %broadcast_in_dim3A_26 : vector<16xf32> to vector<1x16xf32>
      tpu.vector_store %arg12[%swap3A_187, %swap3A_188], %swap3A_191 {strides = array<i32>} : memref<40x128xf32, #tpu.memory_space<vmem>>, vector<1x16xf32>,
    }
    %scan3A_31 = arith.constant 40 : i32
    %mul3A_32 = arith.constant 632 : i32
    %mul3A_33 = arith.muli %arg1, %mul3A_32 : i32
    %scan3A_34 = arith.constant 0 : i32
    %scan3A_35 = arith.constant 0 : i32
    %scan3A_36 = arith.constant 15 : i32
    %scan3A_37 = arith.addi %scan3A_35, %scan3A_36 : i32
    %scan3A_38 = arith.constant 1 : i32
    scf.for %scan3A_151 = %scan3A_35 to %scan3A_37 step %scan3A_38  : i32 {
      %mul3A_152 = arith.constant 40 : i32
      %mul3A_153 = arith.muli %scan3A_151, %mul3A_152 : i32
      %add3A_154 = arith.addi %mul3A_33, %mul3A_153 : i32
      "tpu.region"() ({
        %run_scoped3A_155 = tpu.sem_alloc : memref<!tpu.dma_semaphore, #tpu.memory_space<semaphore_mem>>
        %dma_start3A_156 = arith.constant 0 : i32
        %dma_start3A_157 = tpu.memref_slice %arg15[%add3A_154, %dma_start3A_156] : memref<10112x128xf32, #tpu.memory_space<vmem_shared>> -> memref<40x128xf32, #tpu.memory_space<vmem_shared>>
        %dma_start3A_158 = arith.constant 0 : i32
        %dma_start3A_159 = tpu.memref_slice %arg15[%add3A_154, %dma_start3A_158] : memref<10112x128xf32, #tpu.memory_space<vmem_shared>> -> memref<40x128xf32, #tpu.memory_space<vmem_shared>>
        tpu.enqueue_dma source(%arg12 : memref<40x128xf32, #tpu.memory_space<vmem>>) target(%dma_start3A_159 : memref<40x128xf32, #tpu.memory_space<vmem_shared>>) target_semaphore(%run_scoped3A_155 : memref<!tpu.dma_semaphore, #tpu.memory_space<semaphore_mem>>)
        %dma_wait3A_160 = arith.constant 0 : i32
        %dma_wait3A_161 = tpu.memref_slice %arg15[%add3A_154, %dma_wait3A_160] : memref<10112x128xf32, #tpu.memory_space<vmem_shared>> -> memref<40x128xf32, #tpu.memory_space<vmem_shared>>
        %dma_wait3A_162 = arith.constant 0 : i32
        %dma_wait3A_163 = tpu.memref_slice %arg15[%add3A_154, %dma_wait3A_162] : memref<10112x128xf32, #tpu.memory_space<vmem_shared>> -> memref<40x128xf32, #tpu.memory_space<vmem_shared>>
        tpu.wait_dma2 semaphore(%run_scoped3A_155 : memref<!tpu.dma_semaphore, #tpu.memory_space<semaphore_mem>>) src(%arg12 : memref<40x128xf32, #tpu.memory_space<vmem>>) dst(%dma_wait3A_163 : memref<40x128xf32, #tpu.memory_space<vmem_shared>>)
        tpu.yield
      }) : () -> ()
    }
    %scan3A_39 = arith.constant 15 : i32
    %add3A_40 = arith.constant 632 : i32
    %add3A_41 = arith.addi %mul3A_33, %add3A_40 : i32
    %sub3A = arith.constant 32 : i32
    %sub3A_42 = arith.subi %add3A_41, %sub3A : i32
    "tpu.region"() ({
      %run_scoped3A_151 = tpu.sem_alloc : memref<!tpu.dma_semaphore, #tpu.memory_space<semaphore_mem>>
      %dma_start3A_152 = arith.constant 0 : i32
      %dma_start3A_153 = arith.constant 0 : i32
      %dma_start3A_154 = tpu.memref_slice %arg12[%dma_start3A_152, %dma_start3A_153] : memref<40x128xf32, #tpu.memory_space<vmem>> -> memref<32x128xf32, #tpu.memory_space<vmem>>
      %dma_start3A_155 = arith.constant 0 : i32
      %dma_start3A_156 = tpu.memref_slice %arg15[%sub3A_42, %dma_start3A_155] : memref<10112x128xf32, #tpu.memory_space<vmem_shared>> -> memref<32x128xf32, #tpu.memory_space<vmem_shared>>
      %dma_start3A_157 = arith.constant 0 : i32
      %dma_start3A_158 = tpu.memref_slice %arg15[%sub3A_42, %dma_start3A_157] : memref<10112x128xf32, #tpu.memory_space<vmem_shared>> -> memref<32x128xf32, #tpu.memory_space<vmem_shared>>
      %dma_start3A_159 = arith.constant 0 : i32
      %dma_start3A_160 = arith.constant 0 : i32
      %dma_start3A_161 = tpu.memref_slice %arg12[%dma_start3A_159, %dma_start3A_160] : memref<40x128xf32, #tpu.memory_space<vmem>> -> memref<32x128xf32, #tpu.memory_space<vmem>>
      tpu.enqueue_dma source(%dma_start3A_161 : memref<32x128xf32, #tpu.memory_space<vmem>>) target(%dma_start3A_158 : memref<32x128xf32, #tpu.memory_space<vmem_shared>>) target_semaphore(%run_scoped3A_151 : memref<!tpu.dma_semaphore, #tpu.memory_space<semaphore_mem>>)
      %dma_wait3A_162 = arith.constant 0 : i32
      %dma_wait3A_163 = arith.constant 0 : i32
      %dma_wait3A_164 = tpu.memref_slice %arg12[%dma_wait3A_162, %dma_wait3A_163] : memref<40x128xf32, #tpu.memory_space<vmem>> -> memref<32x128xf32, #tpu.memory_space<vmem>>
      %dma_wait3A_165 = arith.constant 0 : i32
      %dma_wait3A_166 = tpu.memref_slice %arg15[%sub3A_42, %dma_wait3A_165] : memref<10112x128xf32, #tpu.memory_space<vmem_shared>> -> memref<32x128xf32, #tpu.memory_space<vmem_shared>>
      %dma_wait3A_167 = arith.constant 0 : i32
      %dma_wait3A_168 = tpu.memref_slice %arg15[%sub3A_42, %dma_wait3A_167] : memref<10112x128xf32, #tpu.memory_space<vmem_shared>> -> memref<32x128xf32, #tpu.memory_space<vmem_shared>>
      %dma_wait3A_169 = arith.constant 0 : i32
      %dma_wait3A_170 = arith.constant 0 : i32
      %dma_wait3A_171 = tpu.memref_slice %arg12[%dma_wait3A_169, %dma_wait3A_170] : memref<40x128xf32, #tpu.memory_space<vmem>> -> memref<32x128xf32, #tpu.memory_space<vmem>>
      tpu.wait_dma2 semaphore(%run_scoped3A_151 : memref<!tpu.dma_semaphore, #tpu.memory_space<semaphore_mem>>) src(%dma_wait3A_171 : memref<32x128xf32, #tpu.memory_space<vmem>>) dst(%dma_wait3A_168 : memref<32x128xf32, #tpu.memory_space<vmem_shared>>)
      tpu.yield
    }) : () -> ()
    %barrier3A = arith.constant 0 : index
    tpu.barrier barrier_id(%barrier3A)
    %run_scoped3A = arith.constant 0 : i32
    "tpu.region"() ({
      %run_scoped3A_151 = tpu.sem_alloc : memref<!tpu.dma_semaphore, #tpu.memory_space<semaphore_mem>>
      %dma_start3A_152 = arith.constant 0 : i32
      %dma_start3A_153 = arith.constant 0 : i32
      %dma_start3A_154 = tpu.memref_slice %arg4[%add3A, %run_scoped3A, %dma_start3A_152, %dma_start3A_153] : memref<32x125x6x40xi32, #tpu.memory_space<hbm>> -> memref<1x1x6x40xi32, #tpu.memory_space<hbm>>
      %dma_start3A_155 = tpu.memref_squeeze %dma_start3A_154 : memref<1x1x6x40xi32, #tpu.memory_space<hbm>> -> memref<6x40xi32, #tpu.memory_space<hbm>>
      %dma_start3A_156 = arith.constant 0 : i32
      %dma_start3A_157 = arith.constant 0 : i32
      %dma_start3A_158 = tpu.memref_slice %arg4[%add3A, %run_scoped3A, %dma_start3A_156, %dma_start3A_157] : memref<32x125x6x40xi32, #tpu.memory_space<hbm>> -> memref<1x1x6x40xi32, #tpu.memory_space<hbm>>
      %dma_start3A_159 = tpu.memref_squeeze %dma_start3A_158 : memref<1x1x6x40xi32, #tpu.memory_space<hbm>> -> memref<6x40xi32, #tpu.memory_space<hbm>>
      tpu.enqueue_dma source(%dma_start3A_159 : memref<6x40xi32, #tpu.memory_space<hbm>>) target(%arg6 : memref<6x40xi32, #tpu.memory_space<vmem>>) target_semaphore(%run_scoped3A_151 : memref<!tpu.dma_semaphore, #tpu.memory_space<semaphore_mem>>)
      %dma_wait3A_160 = arith.constant 0 : i32
      %dma_wait3A_161 = arith.constant 0 : i32
      %dma_wait3A_162 = tpu.memref_slice %arg4[%add3A, %run_scoped3A, %dma_wait3A_160, %dma_wait3A_161] : memref<32x125x6x40xi32, #tpu.memory_space<hbm>> -> memref<1x1x6x40xi32, #tpu.memory_space<hbm>>
      %dma_wait3A_163 = tpu.memref_squeeze %dma_wait3A_162 : memref<1x1x6x40xi32, #tpu.memory_space<hbm>> -> memref<6x40xi32, #tpu.memory_space<hbm>>
      %dma_wait3A_164 = arith.constant 0 : i32
      %dma_wait3A_165 = arith.constant 0 : i32
      %dma_wait3A_166 = tpu.memref_slice %arg4[%add3A, %run_scoped3A, %dma_wait3A_164, %dma_wait3A_165] : memref<32x125x6x40xi32, #tpu.memory_space<hbm>> -> memref<1x1x6x40xi32, #tpu.memory_space<hbm>>
      %dma_wait3A_167 = tpu.memref_squeeze %dma_wait3A_166 : memref<1x1x6x40xi32, #tpu.memory_space<hbm>> -> memref<6x40xi32, #tpu.memory_space<hbm>>
      tpu.wait_dma2 semaphore(%run_scoped3A_151 : memref<!tpu.dma_semaphore, #tpu.memory_space<semaphore_mem>>) src(%dma_wait3A_167 : memref<6x40xi32, #tpu.memory_space<hbm>>) dst(%arg6 : memref<6x40xi32, #tpu.memory_space<vmem>>)
      tpu.yield
    }) : () -> ()
    %dma_start3A_43 = arith.constant 0 : i32
    %dma_start3A_44 = arith.constant 0 : i32
    %dma_start3A_45 = tpu.memref_slice %arg6[%dma_start3A_43, %dma_start3A_44] : memref<6x40xi32, #tpu.memory_space<vmem>> -> memref<1x40xi32, #tpu.memory_space<vmem>>
    %dma_start3A_46 = tpu.memref_squeeze %dma_start3A_45 : memref<1x40xi32, #tpu.memory_space<vmem>> -> memref<40xi32, #tpu.memory_space<vmem>>
    %dma_start3A_47 = arith.constant 0 : i32
    %dma_start3A_48 = arith.constant 0 : i32
    %dma_start3A_49 = tpu.memref_slice %arg2[%dma_start3A_47, %dma_start3A_48] : memref<320000x128xf32, #tpu.memory_space<hbm>> -> memref<320000x128xf32, #tpu.memory_space<hbm>>
    tpu.enqueue_indirect_dma source(%dma_start3A_49 : memref<320000x128xf32, #tpu.memory_space<hbm>>) target(%arg8 : memref<40x128xf32, #tpu.memory_space<vmem>>) offsets(%dma_start3A_46 : memref<40xi32, #tpu.memory_space<vmem>>) semaphore(%arg16 : memref<!tpu.dma_semaphore, #tpu.memory_space<semaphore_mem>>)
    %dma_start3A_50 = arith.constant 2 : i32
    %dma_start3A_51 = arith.constant 0 : i32
    %dma_start3A_52 = tpu.memref_slice %arg6[%dma_start3A_50, %dma_start3A_51] : memref<6x40xi32, #tpu.memory_space<vmem>> -> memref<1x40xi32, #tpu.memory_space<vmem>>
    %dma_start3A_53 = tpu.memref_squeeze %dma_start3A_52 : memref<1x40xi32, #tpu.memory_space<vmem>> -> memref<40xi32, #tpu.memory_space<vmem>>
    %dma_start3A_54 = arith.constant 0 : i32
    %dma_start3A_55 = arith.constant 0 : i32
    %dma_start3A_56 = tpu.memref_slice %arg3[%dma_start3A_54, %dma_start3A_55] : memref<10000x128xf32, #tpu.memory_space<hbm>> -> memref<10000x128xf32, #tpu.memory_space<hbm>>
    tpu.enqueue_indirect_dma source(%dma_start3A_56 : memref<10000x128xf32, #tpu.memory_space<hbm>>) target(%arg10 : memref<40x128xf32, #tpu.memory_space<vmem>>) offsets(%dma_start3A_53 : memref<40xi32, #tpu.memory_space<vmem>>) semaphore(%arg18 : memref<!tpu.dma_semaphore, #tpu.memory_space<semaphore_mem>>)
    %dma_start3A_57 = arith.constant 1 : i32
    %dma_start3A_58 = arith.constant 0 : i32
    %dma_start3A_59 = tpu.memref_slice %arg6[%dma_start3A_57, %dma_start3A_58] : memref<6x40xi32, #tpu.memory_space<vmem>> -> memref<1x40xi32, #tpu.memory_space<vmem>>
    %dma_start3A_60 = tpu.memref_squeeze %dma_start3A_59 : memref<1x40xi32, #tpu.memory_space<vmem>> -> memref<40xi32, #tpu.memory_space<vmem>>
    %dma_start3A_61 = arith.constant 0 : i32
    %dma_start3A_62 = arith.constant 0 : i32
    %dma_start3A_63 = tpu.memref_slice %arg2[%dma_start3A_61, %dma_start3A_62] : memref<320000x128xf32, #tpu.memory_space<hbm>> -> memref<320000x128xf32, #tpu.memory_space<hbm>>
    tpu.enqueue_indirect_dma source(%dma_start3A_63 : memref<320000x128xf32, #tpu.memory_space<hbm>>) target(%arg9 : memref<40x128xf32, #tpu.memory_space<vmem>>) offsets(%dma_start3A_60 : memref<40xi32, #tpu.memory_space<vmem>>) semaphore(%arg17 : memref<!tpu.dma_semaphore, #tpu.memory_space<semaphore_mem>>)
    %dma_start3A_64 = arith.constant 3 : i32
    %dma_start3A_65 = arith.constant 0 : i32
    %dma_start3A_66 = tpu.memref_slice %arg6[%dma_start3A_64, %dma_start3A_65] : memref<6x40xi32, #tpu.memory_space<vmem>> -> memref<1x40xi32, #tpu.memory_space<vmem>>
    %dma_start3A_67 = tpu.memref_squeeze %dma_start3A_66 : memref<1x40xi32, #tpu.memory_space<vmem>> -> memref<40xi32, #tpu.memory_space<vmem>>
    %dma_start3A_68 = arith.constant 0 : i32
    %dma_start3A_69 = arith.constant 0 : i32
    %dma_start3A_70 = tpu.memref_slice %arg3[%dma_start3A_68, %dma_start3A_69] : memref<10000x128xf32, #tpu.memory_space<hbm>> -> memref<10000x128xf32, #tpu.memory_space<hbm>>
    tpu.enqueue_indirect_dma source(%dma_start3A_70 : memref<10000x128xf32, #tpu.memory_space<hbm>>) target(%arg11 : memref<40x128xf32, #tpu.memory_space<vmem>>) offsets(%dma_start3A_67 : memref<40xi32, #tpu.memory_space<vmem>>) semaphore(%arg19 : memref<!tpu.dma_semaphore, #tpu.memory_space<semaphore_mem>>)
    %scan3A_71 = arith.constant 0 : i32
    %scan3A_72 = arith.constant 0 : i32
    %scan3A_73 = arith.constant 62 : i32
    %scan3A_74 = arith.addi %scan3A_72, %scan3A_73 : i32
    %scan3A_75 = arith.constant 1 : i32
    scf.for %scan3A_151 = %scan3A_72 to %scan3A_74 step %scan3A_75  : i32 {
      %mul3A_152 = arith.constant 2 : i32
      %mul3A_153 = arith.muli %mul3A_152, %scan3A_151 : i32
      %add3A_154 = arith.constant 1 : i32
      %add3A_155 = arith.addi %mul3A_153, %add3A_154 : i32
      %dma_start3A_156 = arith.constant 0 : i32
      %dma_start3A_157 = arith.constant 0 : i32
      %dma_start3A_158 = tpu.memref_slice %arg4[%add3A, %add3A_155, %dma_start3A_156, %dma_start3A_157] : memref<32x125x6x40xi32, #tpu.memory_space<hbm>> -> memref<1x1x6x40xi32, #tpu.memory_space<hbm>>
      %dma_start3A_159 = tpu.memref_squeeze %dma_start3A_158 : memref<1x1x6x40xi32, #tpu.memory_space<hbm>> -> memref<6x40xi32, #tpu.memory_space<hbm>>
      %dma_start3A_160 = arith.constant 0 : i32
      %dma_start3A_161 = arith.constant 0 : i32
      %dma_start3A_162 = tpu.memref_slice %arg4[%add3A, %add3A_155, %dma_start3A_160, %dma_start3A_161] : memref<32x125x6x40xi32, #tpu.memory_space<hbm>> -> memref<1x1x6x40xi32, #tpu.memory_space<hbm>>
      %dma_start3A_163 = tpu.memref_squeeze %dma_start3A_162 : memref<1x1x6x40xi32, #tpu.memory_space<hbm>> -> memref<6x40xi32, #tpu.memory_space<hbm>>
      tpu.enqueue_dma source(%dma_start3A_163 : memref<6x40xi32, #tpu.memory_space<hbm>>) target(%arg7 : memref<6x40xi32, #tpu.memory_space<vmem>>) target_semaphore(%arg22 : memref<!tpu.dma_semaphore, #tpu.memory_space<semaphore_mem>>)
      %dma_wait3A_164 = arith.constant 0 : i32
      %dma_wait3A_165 = arith.constant 0 : i32
      %dma_wait3A_166 = tpu.memref_slice %arg2[%dma_wait3A_164, %dma_wait3A_165] : memref<320000x128xf32, #tpu.memory_space<hbm>> -> memref<40x128xf32, #tpu.memory_space<hbm>>
      %dma_wait3A_167 = arith.constant 0 : i32
      %dma_wait3A_168 = arith.constant 0 : i32
      %dma_wait3A_169 = tpu.memref_slice %arg2[%dma_wait3A_167, %dma_wait3A_168] : memref<320000x128xf32, #tpu.memory_space<hbm>> -> memref<40x128xf32, #tpu.memory_space<hbm>>
      tpu.wait_dma2 semaphore(%arg16 : memref<!tpu.dma_semaphore, #tpu.memory_space<semaphore_mem>>) src(%dma_wait3A_169 : memref<40x128xf32, #tpu.memory_space<hbm>>) dst(%arg8 : memref<40x128xf32, #tpu.memory_space<vmem>>)
      %dma_wait3A_170 = arith.constant 0 : i32
      %dma_wait3A_171 = arith.constant 0 : i32
      %dma_wait3A_172 = tpu.memref_slice %arg3[%dma_wait3A_170, %dma_wait3A_171] : memref<10000x128xf32, #tpu.memory_space<hbm>> -> memref<40x128xf32, #tpu.memory_space<hbm>>
      %dma_wait3A_173 = arith.constant 0 : i32
      %dma_wait3A_174 = arith.constant 0 : i32
      %dma_wait3A_175 = tpu.memref_slice %arg3[%dma_wait3A_173, %dma_wait3A_174] : memref<10000x128xf32, #tpu.memory_space<hbm>> -> memref<40x128xf32, #tpu.memory_space<hbm>>
      tpu.wait_dma2 semaphore(%arg18 : memref<!tpu.dma_semaphore, #tpu.memory_space<semaphore_mem>>) src(%dma_wait3A_175 : memref<40x128xf32, #tpu.memory_space<hbm>>) dst(%arg10 : memref<40x128xf32, #tpu.memory_space<vmem>>)
      %dma_wait3A_176 = arith.constant 0 : i32
      %dma_wait3A_177 = arith.constant 0 : i32
      %dma_wait3A_178 = tpu.memref_slice %arg2[%dma_wait3A_176, %dma_wait3A_177] : memref<320000x128xf32, #tpu.memory_space<hbm>> -> memref<40x128xf32, #tpu.memory_space<hbm>>
      %dma_wait3A_179 = arith.constant 0 : i32
      %dma_wait3A_180 = arith.constant 0 : i32
      %dma_wait3A_181 = tpu.memref_slice %arg2[%dma_wait3A_179, %dma_wait3A_180] : memref<320000x128xf32, #tpu.memory_space<hbm>> -> memref<40x128xf32, #tpu.memory_space<hbm>>
      tpu.wait_dma2 semaphore(%arg20 : memref<!tpu.dma_semaphore, #tpu.memory_space<semaphore_mem>>) src(%dma_wait3A_181 : memref<40x128xf32, #tpu.memory_space<hbm>>) dst(%arg12 : memref<40x128xf32, #tpu.memory_space<vmem>>)
      %scan3A_182 = arith.constant 0 : i32
      %scan3A_183 = arith.constant 0 : i32
      %scan3A_184 = arith.constant 40 : i32
      %scan3A_185 = arith.addi %scan3A_183, %scan3A_184 : i32
      %scan3A_186 = arith.constant 1 : i32
      scf.for %scan3A_376 = %scan3A_183 to %scan3A_185 step %scan3A_186  : i32 {
        %get3A = arith.index_cast %scan3A_376 : i32 to index
        %get3A_377 = arith.constant 0 : index
        %get3A_378 = tpu.vector_load %arg8[%get3A, %get3A_377] {strides = array<i32>} : memref<40x128xf32, #tpu.memory_space<vmem>>, vector<1x16xf32>,
        %get3A_379 = vector.shape_cast %get3A_378 : vector<1x16xf32> to vector<16xf32>
        %get3A_380 = arith.index_cast %scan3A_376 : i32 to index
        %get3A_381 = arith.constant 0 : index
        %get3A_382 = tpu.vector_load %arg10[%get3A_380, %get3A_381] {strides = array<i32>} : memref<40x128xf32, #tpu.memory_space<vmem>>, vector<1x16xf32>,
        %get3A_383 = vector.shape_cast %get3A_382 : vector<1x16xf32> to vector<16xf32>
        %mul3A_384 = arith.mulf %get3A_379, %get3A_383 : vector<16xf32>
        %swap3A_385 = arith.index_cast %scan3A_376 : i32 to index
        %swap3A_386 = arith.constant 0 : index
        %swap3A_387 = tpu.vector_load %arg12[%swap3A_385, %swap3A_386] {strides = array<i32>} : memref<40x128xf32, #tpu.memory_space<vmem>>, vector<1x16xf32>,
        %swap3A_388 = vector.shape_cast %swap3A_387 : vector<1x16xf32> to vector<16xf32>
        %swap3A_389 = vector.shape_cast %mul3A_384 : vector<16xf32> to vector<1x16xf32>
        tpu.vector_store %arg12[%swap3A_385, %swap3A_386], %swap3A_389 {strides = array<i32>} : memref<40x128xf32, #tpu.memory_space<vmem>>, vector<1x16xf32>,
        %get3A_390 = arith.index_cast %scan3A_376 : i32 to index
        %get3A_391 = arith.constant 16 : index
        %get3A_392 = tpu.vector_load %arg8[%get3A_390, %get3A_391] {strides = array<i32>} : memref<40x128xf32, #tpu.memory_space<vmem>>, vector<1x16xf32>,
        %get3A_393 = vector.shape_cast %get3A_392 : vector<1x16xf32> to vector<16xf32>
        %get3A_394 = arith.index_cast %scan3A_376 : i32 to index
        %get3A_395 = arith.constant 16 : index
        %get3A_396 = tpu.vector_load %arg10[%get3A_394, %get3A_395] {strides = array<i32>} : memref<40x128xf32, #tpu.memory_space<vmem>>, vector<1x16xf32>,
        %get3A_397 = vector.shape_cast %get3A_396 : vector<1x16xf32> to vector<16xf32>
        %mul3A_398 = arith.mulf %get3A_393, %get3A_397 : vector<16xf32>
        %swap3A_399 = arith.index_cast %scan3A_376 : i32 to index
        %swap3A_400 = arith.constant 16 : index
        %swap3A_401 = tpu.vector_load %arg12[%swap3A_399, %swap3A_400] {strides = array<i32>} : memref<40x128xf32, #tpu.memory_space<vmem>>, vector<1x16xf32>,
        %swap3A_402 = vector.shape_cast %swap3A_401 : vector<1x16xf32> to vector<16xf32>
        %swap3A_403 = vector.shape_cast %mul3A_398 : vector<16xf32> to vector<1x16xf32>
        tpu.vector_store %arg12[%swap3A_399, %swap3A_400], %swap3A_403 {strides = array<i32>} : memref<40x128xf32, #tpu.memory_space<vmem>>, vector<1x16xf32>,
        %get3A_404 = arith.index_cast %scan3A_376 : i32 to index
        %get3A_405 = arith.constant 32 : index
        %get3A_406 = tpu.vector_load %arg8[%get3A_404, %get3A_405] {strides = array<i32>} : memref<40x128xf32, #tpu.memory_space<vmem>>, vector<1x16xf32>,
        %get3A_407 = vector.shape_cast %get3A_406 : vector<1x16xf32> to vector<16xf32>
        %get3A_408 = arith.index_cast %scan3A_376 : i32 to index
        %get3A_409 = arith.constant 32 : index
        %get3A_410 = tpu.vector_load %arg10[%get3A_408, %get3A_409] {strides = array<i32>} : memref<40x128xf32, #tpu.memory_space<vmem>>, vector<1x16xf32>,
        %get3A_411 = vector.shape_cast %get3A_410 : vector<1x16xf32> to vector<16xf32>
        %mul3A_412 = arith.mulf %get3A_407, %get3A_411 : vector<16xf32>
        %swap3A_413 = arith.index_cast %scan3A_376 : i32 to index
        %swap3A_414 = arith.constant 32 : index
        %swap3A_415 = tpu.vector_load %arg12[%swap3A_413, %swap3A_414] {strides = array<i32>} : memref<40x128xf32, #tpu.memory_space<vmem>>, vector<1x16xf32>,
        %swap3A_416 = vector.shape_cast %swap3A_415 : vector<1x16xf32> to vector<16xf32>
        %swap3A_417 = vector.shape_cast %mul3A_412 : vector<16xf32> to vector<1x16xf32>
        tpu.vector_store %arg12[%swap3A_413, %swap3A_414], %swap3A_417 {strides = array<i32>} : memref<40x128xf32, #tpu.memory_space<vmem>>, vector<1x16xf32>,
        %get3A_418 = arith.index_cast %scan3A_376 : i32 to index
        %get3A_419 = arith.constant 48 : index
        %get3A_420 = tpu.vector_load %arg8[%get3A_418, %get3A_419] {strides = array<i32>} : memref<40x128xf32, #tpu.memory_space<vmem>>, vector<1x16xf32>,
        %get3A_421 = vector.shape_cast %get3A_420 : vector<1x16xf32> to vector<16xf32>
        %get3A_422 = arith.index_cast %scan3A_376 : i32 to index
        %get3A_423 = arith.constant 48 : index
        %get3A_424 = tpu.vector_load %arg10[%get3A_422, %get3A_423] {strides = array<i32>} : memref<40x128xf32, #tpu.memory_space<vmem>>, vector<1x16xf32>,
        %get3A_425 = vector.shape_cast %get3A_424 : vector<1x16xf32> to vector<16xf32>
        %mul3A_426 = arith.mulf %get3A_421, %get3A_425 : vector<16xf32>
        %swap3A_427 = arith.index_cast %scan3A_376 : i32 to index
        %swap3A_428 = arith.constant 48 : index
        %swap3A_429 = tpu.vector_load %arg12[%swap3A_427, %swap3A_428] {strides = array<i32>} : memref<40x128xf32, #tpu.memory_space<vmem>>, vector<1x16xf32>,
        %swap3A_430 = vector.shape_cast %swap3A_429 : vector<1x16xf32> to vector<16xf32>
        %swap3A_431 = vector.shape_cast %mul3A_426 : vector<16xf32> to vector<1x16xf32>
        tpu.vector_store %arg12[%swap3A_427, %swap3A_428], %swap3A_431 {strides = array<i32>} : memref<40x128xf32, #tpu.memory_space<vmem>>, vector<1x16xf32>,
        %get3A_432 = arith.index_cast %scan3A_376 : i32 to index
        %get3A_433 = arith.constant 64 : index
        %get3A_434 = tpu.vector_load %arg8[%get3A_432, %get3A_433] {strides = array<i32>} : memref<40x128xf32, #tpu.memory_space<vmem>>, vector<1x16xf32>,
        %get3A_435 = vector.shape_cast %get3A_434 : vector<1x16xf32> to vector<16xf32>
        %get3A_436 = arith.index_cast %scan3A_376 : i32 to index
        %get3A_437 = arith.constant 64 : index
        %get3A_438 = tpu.vector_load %arg10[%get3A_436, %get3A_437] {strides = array<i32>} : memref<40x128xf32, #tpu.memory_space<vmem>>, vector<1x16xf32>,
        %get3A_439 = vector.shape_cast %get3A_438 : vector<1x16xf32> to vector<16xf32>
        %mul3A_440 = arith.mulf %get3A_435, %get3A_439 : vector<16xf32>
        %swap3A_441 = arith.index_cast %scan3A_376 : i32 to index
        %swap3A_442 = arith.constant 64 : index
        %swap3A_443 = tpu.vector_load %arg12[%swap3A_441, %swap3A_442] {strides = array<i32>} : memref<40x128xf32, #tpu.memory_space<vmem>>, vector<1x16xf32>,
        %swap3A_444 = vector.shape_cast %swap3A_443 : vector<1x16xf32> to vector<16xf32>
        %swap3A_445 = vector.shape_cast %mul3A_440 : vector<16xf32> to vector<1x16xf32>
        tpu.vector_store %arg12[%swap3A_441, %swap3A_442], %swap3A_445 {strides = array<i32>} : memref<40x128xf32, #tpu.memory_space<vmem>>, vector<1x16xf32>,
        %get3A_446 = arith.index_cast %scan3A_376 : i32 to index
        %get3A_447 = arith.constant 80 : index
        %get3A_448 = tpu.vector_load %arg8[%get3A_446, %get3A_447] {strides = array<i32>} : memref<40x128xf32, #tpu.memory_space<vmem>>, vector<1x16xf32>,
        %get3A_449 = vector.shape_cast %get3A_448 : vector<1x16xf32> to vector<16xf32>
        %get3A_450 = arith.index_cast %scan3A_376 : i32 to index
        %get3A_451 = arith.constant 80 : index
        %get3A_452 = tpu.vector_load %arg10[%get3A_450, %get3A_451] {strides = array<i32>} : memref<40x128xf32, #tpu.memory_space<vmem>>, vector<1x16xf32>,
        %get3A_453 = vector.shape_cast %get3A_452 : vector<1x16xf32> to vector<16xf32>
        %mul3A_454 = arith.mulf %get3A_449, %get3A_453 : vector<16xf32>
        %swap3A_455 = arith.index_cast %scan3A_376 : i32 to index
        %swap3A_456 = arith.constant 80 : index
        %swap3A_457 = tpu.vector_load %arg12[%swap3A_455, %swap3A_456] {strides = array<i32>} : memref<40x128xf32, #tpu.memory_space<vmem>>, vector<1x16xf32>,
        %swap3A_458 = vector.shape_cast %swap3A_457 : vector<1x16xf32> to vector<16xf32>
        %swap3A_459 = vector.shape_cast %mul3A_454 : vector<16xf32> to vector<1x16xf32>
        tpu.vector_store %arg12[%swap3A_455, %swap3A_456], %swap3A_459 {strides = array<i32>} : memref<40x128xf32, #tpu.memory_space<vmem>>, vector<1x16xf32>,
        %get3A_460 = arith.index_cast %scan3A_376 : i32 to index
        %get3A_461 = arith.constant 96 : index
        %get3A_462 = tpu.vector_load %arg8[%get3A_460, %get3A_461] {strides = array<i32>} : memref<40x128xf32, #tpu.memory_space<vmem>>, vector<1x16xf32>,
        %get3A_463 = vector.shape_cast %get3A_462 : vector<1x16xf32> to vector<16xf32>
        %get3A_464 = arith.index_cast %scan3A_376 : i32 to index
        %get3A_465 = arith.constant 96 : index
        %get3A_466 = tpu.vector_load %arg10[%get3A_464, %get3A_465] {strides = array<i32>} : memref<40x128xf32, #tpu.memory_space<vmem>>, vector<1x16xf32>,
        %get3A_467 = vector.shape_cast %get3A_466 : vector<1x16xf32> to vector<16xf32>
        %mul3A_468 = arith.mulf %get3A_463, %get3A_467 : vector<16xf32>
        %swap3A_469 = arith.index_cast %scan3A_376 : i32 to index
        %swap3A_470 = arith.constant 96 : index
        %swap3A_471 = tpu.vector_load %arg12[%swap3A_469, %swap3A_470] {strides = array<i32>} : memref<40x128xf32, #tpu.memory_space<vmem>>, vector<1x16xf32>,
        %swap3A_472 = vector.shape_cast %swap3A_471 : vector<1x16xf32> to vector<16xf32>
        %swap3A_473 = vector.shape_cast %mul3A_468 : vector<16xf32> to vector<1x16xf32>
        tpu.vector_store %arg12[%swap3A_469, %swap3A_470], %swap3A_473 {strides = array<i32>} : memref<40x128xf32, #tpu.memory_space<vmem>>, vector<1x16xf32>,
        %get3A_474 = arith.index_cast %scan3A_376 : i32 to index
        %get3A_475 = arith.constant 112 : index
        %get3A_476 = tpu.vector_load %arg8[%get3A_474, %get3A_475] {strides = array<i32>} : memref<40x128xf32, #tpu.memory_space<vmem>>, vector<1x16xf32>,
        %get3A_477 = vector.shape_cast %get3A_476 : vector<1x16xf32> to vector<16xf32>
        %get3A_478 = arith.index_cast %scan3A_376 : i32 to index
        %get3A_479 = arith.constant 112 : index
        %get3A_480 = tpu.vector_load %arg10[%get3A_478, %get3A_479] {strides = array<i32>} : memref<40x128xf32, #tpu.memory_space<vmem>>, vector<1x16xf32>,
        %get3A_481 = vector.shape_cast %get3A_480 : vector<1x16xf32> to vector<16xf32>
        %mul3A_482 = arith.mulf %get3A_477, %get3A_481 : vector<16xf32>
        %swap3A_483 = arith.index_cast %scan3A_376 : i32 to index
        %swap3A_484 = arith.constant 112 : index
        %swap3A_485 = tpu.vector_load %arg12[%swap3A_483, %swap3A_484] {strides = array<i32>} : memref<40x128xf32, #tpu.memory_space<vmem>>, vector<1x16xf32>,
        %swap3A_486 = vector.shape_cast %swap3A_485 : vector<1x16xf32> to vector<16xf32>
        %swap3A_487 = vector.shape_cast %mul3A_482 : vector<16xf32> to vector<1x16xf32>
        tpu.vector_store %arg12[%swap3A_483, %swap3A_484], %swap3A_487 {strides = array<i32>} : memref<40x128xf32, #tpu.memory_space<vmem>>, vector<1x16xf32>,
      }
      %scan3A_187 = arith.constant 40 : i32
      %dma_wait3A_188 = arith.constant 0 : i32
      %dma_wait3A_189 = arith.constant 0 : i32
      %dma_wait3A_190 = arith.constant 0 : i32
      %dma_wait3A_191 = tpu.memref_slice %arg4[%add3A, %dma_wait3A_188, %dma_wait3A_189, %dma_wait3A_190] : memref<32x125x6x40xi32, #tpu.memory_space<hbm>> -> memref<1x1x6x40xi32, #tpu.memory_space<hbm>>
      %dma_wait3A_192 = tpu.memref_squeeze %dma_wait3A_191 : memref<1x1x6x40xi32, #tpu.memory_space<hbm>> -> memref<6x40xi32, #tpu.memory_space<hbm>>
      %dma_wait3A_193 = arith.constant 0 : i32
      %dma_wait3A_194 = arith.constant 0 : i32
      %dma_wait3A_195 = tpu.memref_slice %arg4[%add3A, %dma_wait3A_188, %dma_wait3A_193, %dma_wait3A_194] : memref<32x125x6x40xi32, #tpu.memory_space<hbm>> -> memref<1x1x6x40xi32, #tpu.memory_space<hbm>>
      %dma_wait3A_196 = tpu.memref_squeeze %dma_wait3A_195 : memref<1x1x6x40xi32, #tpu.memory_space<hbm>> -> memref<6x40xi32, #tpu.memory_space<hbm>>
      tpu.wait_dma2 semaphore(%arg22 : memref<!tpu.dma_semaphore, #tpu.memory_space<semaphore_mem>>) src(%dma_wait3A_196 : memref<6x40xi32, #tpu.memory_space<hbm>>) dst(%arg7 : memref<6x40xi32, #tpu.memory_space<vmem>>)
      %dma_start3A_197 = arith.constant 0 : i32
      %dma_start3A_198 = arith.constant 0 : i32
      %dma_start3A_199 = tpu.memref_slice %arg7[%dma_start3A_197, %dma_start3A_198] : memref<6x40xi32, #tpu.memory_space<vmem>> -> memref<1x40xi32, #tpu.memory_space<vmem>>
      %dma_start3A_200 = tpu.memref_squeeze %dma_start3A_199 : memref<1x40xi32, #tpu.memory_space<vmem>> -> memref<40xi32, #tpu.memory_space<vmem>>
      %dma_start3A_201 = arith.constant 0 : i32
      %dma_start3A_202 = arith.constant 0 : i32
      %dma_start3A_203 = tpu.memref_slice %arg2[%dma_start3A_201, %dma_start3A_202] : memref<320000x128xf32, #tpu.memory_space<hbm>> -> memref<320000x128xf32, #tpu.memory_space<hbm>>
      tpu.enqueue_indirect_dma source(%dma_start3A_203 : memref<320000x128xf32, #tpu.memory_space<hbm>>) target(%arg8 : memref<40x128xf32, #tpu.memory_space<vmem>>) offsets(%dma_start3A_200 : memref<40xi32, #tpu.memory_space<vmem>>) semaphore(%arg16 : memref<!tpu.dma_semaphore, #tpu.memory_space<semaphore_mem>>)
      %dma_start3A_204 = arith.constant 2 : i32
      %dma_start3A_205 = arith.constant 0 : i32
      %dma_start3A_206 = tpu.memref_slice %arg7[%dma_start3A_204, %dma_start3A_205] : memref<6x40xi32, #tpu.memory_space<vmem>> -> memref<1x40xi32, #tpu.memory_space<vmem>>
      %dma_start3A_207 = tpu.memref_squeeze %dma_start3A_206 : memref<1x40xi32, #tpu.memory_space<vmem>> -> memref<40xi32, #tpu.memory_space<vmem>>
      %dma_start3A_208 = arith.constant 0 : i32
      %dma_start3A_209 = arith.constant 0 : i32
      %dma_start3A_210 = tpu.memref_slice %arg3[%dma_start3A_208, %dma_start3A_209] : memref<10000x128xf32, #tpu.memory_space<hbm>> -> memref<10000x128xf32, #tpu.memory_space<hbm>>
      tpu.enqueue_indirect_dma source(%dma_start3A_210 : memref<10000x128xf32, #tpu.memory_space<hbm>>) target(%arg10 : memref<40x128xf32, #tpu.memory_space<vmem>>) offsets(%dma_start3A_207 : memref<40xi32, #tpu.memory_space<vmem>>) semaphore(%arg18 : memref<!tpu.dma_semaphore, #tpu.memory_space<semaphore_mem>>)
      %dma_start3A_211 = arith.constant 4 : i32
      %dma_start3A_212 = arith.constant 0 : i32
      %dma_start3A_213 = tpu.memref_slice %arg6[%dma_start3A_211, %dma_start3A_212] : memref<6x40xi32, #tpu.memory_space<vmem>> -> memref<1x40xi32, #tpu.memory_space<vmem>>
      %dma_start3A_214 = tpu.memref_squeeze %dma_start3A_213 : memref<1x40xi32, #tpu.memory_space<vmem>> -> memref<40xi32, #tpu.memory_space<vmem>>
      %dma_start3A_215 = arith.constant 0 : i32
      %dma_start3A_216 = arith.constant 0 : i32
      %dma_start3A_217 = tpu.memref_slice %arg15[%dma_start3A_215, %dma_start3A_216] : memref<10112x128xf32, #tpu.memory_space<vmem_shared>> -> memref<10112x128xf32, #tpu.memory_space<vmem_shared>>
      tpu.enqueue_indirect_dma source(%arg12 : memref<40x128xf32, #tpu.memory_space<vmem>>) target(%dma_start3A_217 : memref<10112x128xf32, #tpu.memory_space<vmem_shared>>) offsets(%dma_start3A_214 : memref<40xi32, #tpu.memory_space<vmem>>) semaphore(%arg20 : memref<!tpu.dma_semaphore, #tpu.memory_space<semaphore_mem>>) {add = true}
      %dma_wait3A_218 = arith.constant 0 : i32
      %dma_wait3A_219 = arith.constant 0 : i32
      %dma_wait3A_220 = tpu.memref_slice %arg2[%dma_wait3A_218, %dma_wait3A_219] : memref<320000x128xf32, #tpu.memory_space<hbm>> -> memref<40x128xf32, #tpu.memory_space<hbm>>
      %dma_wait3A_221 = arith.constant 0 : i32
      %dma_wait3A_222 = arith.constant 0 : i32
      %dma_wait3A_223 = tpu.memref_slice %arg2[%dma_wait3A_221, %dma_wait3A_222] : memref<320000x128xf32, #tpu.memory_space<hbm>> -> memref<40x128xf32, #tpu.memory_space<hbm>>
      tpu.wait_dma2 semaphore(%arg17 : memref<!tpu.dma_semaphore, #tpu.memory_space<semaphore_mem>>) src(%dma_wait3A_223 : memref<40x128xf32, #tpu.memory_space<hbm>>) dst(%arg9 : memref<40x128xf32, #tpu.memory_space<vmem>>)
      %dma_wait3A_224 = arith.constant 0 : i32
      %dma_wait3A_225 = arith.constant 0 : i32
      %dma_wait3A_226 = tpu.memref_slice %arg3[%dma_wait3A_224, %dma_wait3A_225] : memref<10000x128xf32, #tpu.memory_space<hbm>> -> memref<40x128xf32, #tpu.memory_space<hbm>>
      %dma_wait3A_227 = arith.constant 0 : i32
      %dma_wait3A_228 = arith.constant 0 : i32
      %dma_wait3A_229 = tpu.memref_slice %arg3[%dma_wait3A_227, %dma_wait3A_228] : memref<10000x128xf32, #tpu.memory_space<hbm>> -> memref<40x128xf32, #tpu.memory_space<hbm>>
      tpu.wait_dma2 semaphore(%arg19 : memref<!tpu.dma_semaphore, #tpu.memory_space<semaphore_mem>>) src(%dma_wait3A_229 : memref<40x128xf32, #tpu.memory_space<hbm>>) dst(%arg11 : memref<40x128xf32, #tpu.memory_space<vmem>>)
      %dma_wait3A_230 = arith.constant 0 : i32
      %dma_wait3A_231 = arith.constant 0 : i32
      %dma_wait3A_232 = tpu.memref_slice %arg2[%dma_wait3A_230, %dma_wait3A_231] : memref<320000x128xf32, #tpu.memory_space<hbm>> -> memref<40x128xf32, #tpu.memory_space<hbm>>
      %dma_wait3A_233 = arith.constant 0 : i32
      %dma_wait3A_234 = arith.constant 0 : i32
      %dma_wait3A_235 = tpu.memref_slice %arg2[%dma_wait3A_233, %dma_wait3A_234] : memref<320000x128xf32, #tpu.memory_space<hbm>> -> memref<40x128xf32, #tpu.memory_space<hbm>>
      tpu.wait_dma2 semaphore(%arg21 : memref<!tpu.dma_semaphore, #tpu.memory_space<semaphore_mem>>) src(%dma_wait3A_235 : memref<40x128xf32, #tpu.memory_space<hbm>>) dst(%arg13 : memref<40x128xf32, #tpu.memory_space<vmem>>)
      %scan3A_236 = arith.constant 0 : i32
      %scan3A_237 = arith.constant 0 : i32
      %scan3A_238 = arith.constant 40 : i32
      %scan3A_239 = arith.addi %scan3A_237, %scan3A_238 : i32
      %scan3A_240 = arith.constant 1 : i32
      scf.for %scan3A_376 = %scan3A_237 to %scan3A_239 step %scan3A_240  : i32 {
        %get3A = arith.index_cast %scan3A_376 : i32 to index
        %get3A_377 = arith.constant 0 : index
        %get3A_378 = tpu.vector_load %arg9[%get3A, %get3A_377] {strides = array<i32>} : memref<40x128xf32, #tpu.memory_space<vmem>>, vector<1x16xf32>,
        %get3A_379 = vector.shape_cast %get3A_378 : vector<1x16xf32> to vector<16xf32>
        %get3A_380 = arith.index_cast %scan3A_376 : i32 to index
        %get3A_381 = arith.constant 0 : index
        %get3A_382 = tpu.vector_load %arg11[%get3A_380, %get3A_381] {strides = array<i32>} : memref<40x128xf32, #tpu.memory_space<vmem>>, vector<1x16xf32>,
        %get3A_383 = vector.shape_cast %get3A_382 : vector<1x16xf32> to vector<16xf32>
        %mul3A_384 = arith.mulf %get3A_379, %get3A_383 : vector<16xf32>
        %swap3A_385 = arith.index_cast %scan3A_376 : i32 to index
        %swap3A_386 = arith.constant 0 : index
        %swap3A_387 = tpu.vector_load %arg13[%swap3A_385, %swap3A_386] {strides = array<i32>} : memref<40x128xf32, #tpu.memory_space<vmem>>, vector<1x16xf32>,
        %swap3A_388 = vector.shape_cast %swap3A_387 : vector<1x16xf32> to vector<16xf32>
        %swap3A_389 = vector.shape_cast %mul3A_384 : vector<16xf32> to vector<1x16xf32>
        tpu.vector_store %arg13[%swap3A_385, %swap3A_386], %swap3A_389 {strides = array<i32>} : memref<40x128xf32, #tpu.memory_space<vmem>>, vector<1x16xf32>,
        %get3A_390 = arith.index_cast %scan3A_376 : i32 to index
        %get3A_391 = arith.constant 16 : index
        %get3A_392 = tpu.vector_load %arg9[%get3A_390, %get3A_391] {strides = array<i32>} : memref<40x128xf32, #tpu.memory_space<vmem>>, vector<1x16xf32>,
        %get3A_393 = vector.shape_cast %get3A_392 : vector<1x16xf32> to vector<16xf32>
        %get3A_394 = arith.index_cast %scan3A_376 : i32 to index
        %get3A_395 = arith.constant 16 : index
        %get3A_396 = tpu.vector_load %arg11[%get3A_394, %get3A_395] {strides = array<i32>} : memref<40x128xf32, #tpu.memory_space<vmem>>, vector<1x16xf32>,
        %get3A_397 = vector.shape_cast %get3A_396 : vector<1x16xf32> to vector<16xf32>
        %mul3A_398 = arith.mulf %get3A_393, %get3A_397 : vector<16xf32>
        %swap3A_399 = arith.index_cast %scan3A_376 : i32 to index
        %swap3A_400 = arith.constant 16 : index
        %swap3A_401 = tpu.vector_load %arg13[%swap3A_399, %swap3A_400] {strides = array<i32>} : memref<40x128xf32, #tpu.memory_space<vmem>>, vector<1x16xf32>,
        %swap3A_402 = vector.shape_cast %swap3A_401 : vector<1x16xf32> to vector<16xf32>
        %swap3A_403 = vector.shape_cast %mul3A_398 : vector<16xf32> to vector<1x16xf32>
        tpu.vector_store %arg13[%swap3A_399, %swap3A_400], %swap3A_403 {strides = array<i32>} : memref<40x128xf32, #tpu.memory_space<vmem>>, vector<1x16xf32>,
        %get3A_404 = arith.index_cast %scan3A_376 : i32 to index
        %get3A_405 = arith.constant 32 : index
        %get3A_406 = tpu.vector_load %arg9[%get3A_404, %get3A_405] {strides = array<i32>} : memref<40x128xf32, #tpu.memory_space<vmem>>, vector<1x16xf32>,
        %get3A_407 = vector.shape_cast %get3A_406 : vector<1x16xf32> to vector<16xf32>
        %get3A_408 = arith.index_cast %scan3A_376 : i32 to index
        %get3A_409 = arith.constant 32 : index
        %get3A_410 = tpu.vector_load %arg11[%get3A_408, %get3A_409] {strides = array<i32>} : memref<40x128xf32, #tpu.memory_space<vmem>>, vector<1x16xf32>,
        %get3A_411 = vector.shape_cast %get3A_410 : vector<1x16xf32> to vector<16xf32>
        %mul3A_412 = arith.mulf %get3A_407, %get3A_411 : vector<16xf32>
        %swap3A_413 = arith.index_cast %scan3A_376 : i32 to index
        %swap3A_414 = arith.constant 32 : index
        %swap3A_415 = tpu.vector_load %arg13[%swap3A_413, %swap3A_414] {strides = array<i32>} : memref<40x128xf32, #tpu.memory_space<vmem>>, vector<1x16xf32>,
        %swap3A_416 = vector.shape_cast %swap3A_415 : vector<1x16xf32> to vector<16xf32>
        %swap3A_417 = vector.shape_cast %mul3A_412 : vector<16xf32> to vector<1x16xf32>
        tpu.vector_store %arg13[%swap3A_413, %swap3A_414], %swap3A_417 {strides = array<i32>} : memref<40x128xf32, #tpu.memory_space<vmem>>, vector<1x16xf32>,
        %get3A_418 = arith.index_cast %scan3A_376 : i32 to index
        %get3A_419 = arith.constant 48 : index
        %get3A_420 = tpu.vector_load %arg9[%get3A_418, %get3A_419] {strides = array<i32>} : memref<40x128xf32, #tpu.memory_space<vmem>>, vector<1x16xf32>,
        %get3A_421 = vector.shape_cast %get3A_420 : vector<1x16xf32> to vector<16xf32>
        %get3A_422 = arith.index_cast %scan3A_376 : i32 to index
        %get3A_423 = arith.constant 48 : index
        %get3A_424 = tpu.vector_load %arg11[%get3A_422, %get3A_423] {strides = array<i32>} : memref<40x128xf32, #tpu.memory_space<vmem>>, vector<1x16xf32>,
        %get3A_425 = vector.shape_cast %get3A_424 : vector<1x16xf32> to vector<16xf32>
        %mul3A_426 = arith.mulf %get3A_421, %get3A_425 : vector<16xf32>
        %swap3A_427 = arith.index_cast %scan3A_376 : i32 to index
        %swap3A_428 = arith.constant 48 : index
        %swap3A_429 = tpu.vector_load %arg13[%swap3A_427, %swap3A_428] {strides = array<i32>} : memref<40x128xf32, #tpu.memory_space<vmem>>, vector<1x16xf32>,
        %swap3A_430 = vector.shape_cast %swap3A_429 : vector<1x16xf32> to vector<16xf32>
        %swap3A_431 = vector.shape_cast %mul3A_426 : vector<16xf32> to vector<1x16xf32>
        tpu.vector_store %arg13[%swap3A_427, %swap3A_428], %swap3A_431 {strides = array<i32>} : memref<40x128xf32, #tpu.memory_space<vmem>>, vector<1x16xf32>,
        %get3A_432 = arith.index_cast %scan3A_376 : i32 to index
        %get3A_433 = arith.constant 64 : index
        %get3A_434 = tpu.vector_load %arg9[%get3A_432, %get3A_433] {strides = array<i32>} : memref<40x128xf32, #tpu.memory_space<vmem>>, vector<1x16xf32>,
        %get3A_435 = vector.shape_cast %get3A_434 : vector<1x16xf32> to vector<16xf32>
        %get3A_436 = arith.index_cast %scan3A_376 : i32 to index
        %get3A_437 = arith.constant 64 : index
        %get3A_438 = tpu.vector_load %arg11[%get3A_436, %get3A_437] {strides = array<i32>} : memref<40x128xf32, #tpu.memory_space<vmem>>, vector<1x16xf32>,
        %get3A_439 = vector.shape_cast %get3A_438 : vector<1x16xf32> to vector<16xf32>
        %mul3A_440 = arith.mulf %get3A_435, %get3A_439 : vector<16xf32>
        %swap3A_441 = arith.index_cast %scan3A_376 : i32 to index
        %swap3A_442 = arith.constant 64 : index
        %swap3A_443 = tpu.vector_load %arg13[%swap3A_441, %swap3A_442] {strides = array<i32>} : memref<40x128xf32, #tpu.memory_space<vmem>>, vector<1x16xf32>,
        %swap3A_444 = vector.shape_cast %swap3A_443 : vector<1x16xf32> to vector<16xf32>
        %swap3A_445 = vector.shape_cast %mul3A_440 : vector<16xf32> to vector<1x16xf32>
        tpu.vector_store %arg13[%swap3A_441, %swap3A_442], %swap3A_445 {strides = array<i32>} : memref<40x128xf32, #tpu.memory_space<vmem>>, vector<1x16xf32>,
        %get3A_446 = arith.index_cast %scan3A_376 : i32 to index
        %get3A_447 = arith.constant 80 : index
        %get3A_448 = tpu.vector_load %arg9[%get3A_446, %get3A_447] {strides = array<i32>} : memref<40x128xf32, #tpu.memory_space<vmem>>, vector<1x16xf32>,
        %get3A_449 = vector.shape_cast %get3A_448 : vector<1x16xf32> to vector<16xf32>
        %get3A_450 = arith.index_cast %scan3A_376 : i32 to index
        %get3A_451 = arith.constant 80 : index
        %get3A_452 = tpu.vector_load %arg11[%get3A_450, %get3A_451] {strides = array<i32>} : memref<40x128xf32, #tpu.memory_space<vmem>>, vector<1x16xf32>,
        %get3A_453 = vector.shape_cast %get3A_452 : vector<1x16xf32> to vector<16xf32>
        %mul3A_454 = arith.mulf %get3A_449, %get3A_453 : vector<16xf32>
        %swap3A_455 = arith.index_cast %scan3A_376 : i32 to index
        %swap3A_456 = arith.constant 80 : index
        %swap3A_457 = tpu.vector_load %arg13[%swap3A_455, %swap3A_456] {strides = array<i32>} : memref<40x128xf32, #tpu.memory_space<vmem>>, vector<1x16xf32>,
        %swap3A_458 = vector.shape_cast %swap3A_457 : vector<1x16xf32> to vector<16xf32>
        %swap3A_459 = vector.shape_cast %mul3A_454 : vector<16xf32> to vector<1x16xf32>
        tpu.vector_store %arg13[%swap3A_455, %swap3A_456], %swap3A_459 {strides = array<i32>} : memref<40x128xf32, #tpu.memory_space<vmem>>, vector<1x16xf32>,
        %get3A_460 = arith.index_cast %scan3A_376 : i32 to index
        %get3A_461 = arith.constant 96 : index
        %get3A_462 = tpu.vector_load %arg9[%get3A_460, %get3A_461] {strides = array<i32>} : memref<40x128xf32, #tpu.memory_space<vmem>>, vector<1x16xf32>,
        %get3A_463 = vector.shape_cast %get3A_462 : vector<1x16xf32> to vector<16xf32>
        %get3A_464 = arith.index_cast %scan3A_376 : i32 to index
        %get3A_465 = arith.constant 96 : index
        %get3A_466 = tpu.vector_load %arg11[%get3A_464, %get3A_465] {strides = array<i32>} : memref<40x128xf32, #tpu.memory_space<vmem>>, vector<1x16xf32>,
        %get3A_467 = vector.shape_cast %get3A_466 : vector<1x16xf32> to vector<16xf32>
        %mul3A_468 = arith.mulf %get3A_463, %get3A_467 : vector<16xf32>
        %swap3A_469 = arith.index_cast %scan3A_376 : i32 to index
        %swap3A_470 = arith.constant 96 : index
        %swap3A_471 = tpu.vector_load %arg13[%swap3A_469, %swap3A_470] {strides = array<i32>} : memref<40x128xf32, #tpu.memory_space<vmem>>, vector<1x16xf32>,
        %swap3A_472 = vector.shape_cast %swap3A_471 : vector<1x16xf32> to vector<16xf32>
        %swap3A_473 = vector.shape_cast %mul3A_468 : vector<16xf32> to vector<1x16xf32>
        tpu.vector_store %arg13[%swap3A_469, %swap3A_470], %swap3A_473 {strides = array<i32>} : memref<40x128xf32, #tpu.memory_space<vmem>>, vector<1x16xf32>,
        %get3A_474 = arith.index_cast %scan3A_376 : i32 to index
        %get3A_475 = arith.constant 112 : index
        %get3A_476 = tpu.vector_load %arg9[%get3A_474, %get3A_475] {strides = array<i32>} : memref<40x128xf32, #tpu.memory_space<vmem>>, vector<1x16xf32>,
        %get3A_477 = vector.shape_cast %get3A_476 : vector<1x16xf32> to vector<16xf32>
        %get3A_478 = arith.index_cast %scan3A_376 : i32 to index
        %get3A_479 = arith.constant 112 : index
        %get3A_480 = tpu.vector_load %arg11[%get3A_478, %get3A_479] {strides = array<i32>} : memref<40x128xf32, #tpu.memory_space<vmem>>, vector<1x16xf32>,
        %get3A_481 = vector.shape_cast %get3A_480 : vector<1x16xf32> to vector<16xf32>
        %mul3A_482 = arith.mulf %get3A_477, %get3A_481 : vector<16xf32>
        %swap3A_483 = arith.index_cast %scan3A_376 : i32 to index
        %swap3A_484 = arith.constant 112 : index
        %swap3A_485 = tpu.vector_load %arg13[%swap3A_483, %swap3A_484] {strides = array<i32>} : memref<40x128xf32, #tpu.memory_space<vmem>>, vector<1x16xf32>,
        %swap3A_486 = vector.shape_cast %swap3A_485 : vector<1x16xf32> to vector<16xf32>
        %swap3A_487 = vector.shape_cast %mul3A_482 : vector<16xf32> to vector<1x16xf32>
        tpu.vector_store %arg13[%swap3A_483, %swap3A_484], %swap3A_487 {strides = array<i32>} : memref<40x128xf32, #tpu.memory_space<vmem>>, vector<1x16xf32>,
      }
      %scan3A_241 = arith.constant 40 : i32
      %dma_start3A_242 = arith.constant 1 : i32
      %dma_start3A_243 = arith.constant 0 : i32
      %dma_start3A_244 = tpu.memref_slice %arg7[%dma_start3A_242, %dma_start3A_243] : memref<6x40xi32, #tpu.memory_space<vmem>> -> memref<1x40xi32, #tpu.memory_space<vmem>>
      %dma_start3A_245 = tpu.memref_squeeze %dma_start3A_244 : memref<1x40xi32, #tpu.memory_space<vmem>> -> memref<40xi32, #tpu.memory_space<vmem>>
      %dma_start3A_246 = arith.constant 0 : i32
      %dma_start3A_247 = arith.constant 0 : i32
      %dma_start3A_248 = tpu.memref_slice %arg2[%dma_start3A_246, %dma_start3A_247] : memref<320000x128xf32, #tpu.memory_space<hbm>> -> memref<320000x128xf32, #tpu.memory_space<hbm>>
      tpu.enqueue_indirect_dma source(%dma_start3A_248 : memref<320000x128xf32, #tpu.memory_space<hbm>>) target(%arg9 : memref<40x128xf32, #tpu.memory_space<vmem>>) offsets(%dma_start3A_245 : memref<40xi32, #tpu.memory_space<vmem>>) semaphore(%arg17 : memref<!tpu.dma_semaphore, #tpu.memory_space<semaphore_mem>>)
      %dma_start3A_249 = arith.constant 3 : i32
      %dma_start3A_250 = arith.constant 0 : i32
      %dma_start3A_251 = tpu.memref_slice %arg7[%dma_start3A_249, %dma_start3A_250] : memref<6x40xi32, #tpu.memory_space<vmem>> -> memref<1x40xi32, #tpu.memory_space<vmem>>
      %dma_start3A_252 = tpu.memref_squeeze %dma_start3A_251 : memref<1x40xi32, #tpu.memory_space<vmem>> -> memref<40xi32, #tpu.memory_space<vmem>>
      %dma_start3A_253 = arith.constant 0 : i32
      %dma_start3A_254 = arith.constant 0 : i32
      %dma_start3A_255 = tpu.memref_slice %arg3[%dma_start3A_253, %dma_start3A_254] : memref<10000x128xf32, #tpu.memory_space<hbm>> -> memref<10000x128xf32, #tpu.memory_space<hbm>>
      tpu.enqueue_indirect_dma source(%dma_start3A_255 : memref<10000x128xf32, #tpu.memory_space<hbm>>) target(%arg11 : memref<40x128xf32, #tpu.memory_space<vmem>>) offsets(%dma_start3A_252 : memref<40xi32, #tpu.memory_space<vmem>>) semaphore(%arg19 : memref<!tpu.dma_semaphore, #tpu.memory_space<semaphore_mem>>)
      %dma_start3A_256 = arith.constant 5 : i32
      %dma_start3A_257 = arith.constant 0 : i32
      %dma_start3A_258 = tpu.memref_slice %arg6[%dma_start3A_256, %dma_start3A_257] : memref<6x40xi32, #tpu.memory_space<vmem>> -> memref<1x40xi32, #tpu.memory_space<vmem>>
      %dma_start3A_259 = tpu.memref_squeeze %dma_start3A_258 : memref<1x40xi32, #tpu.memory_space<vmem>> -> memref<40xi32, #tpu.memory_space<vmem>>
      %dma_start3A_260 = arith.constant 0 : i32
      %dma_start3A_261 = arith.constant 0 : i32
      %dma_start3A_262 = tpu.memref_slice %arg15[%dma_start3A_260, %dma_start3A_261] : memref<10112x128xf32, #tpu.memory_space<vmem_shared>> -> memref<10112x128xf32, #tpu.memory_space<vmem_shared>>
      tpu.enqueue_indirect_dma source(%arg13 : memref<40x128xf32, #tpu.memory_space<vmem>>) target(%dma_start3A_262 : memref<10112x128xf32, #tpu.memory_space<vmem_shared>>) offsets(%dma_start3A_259 : memref<40xi32, #tpu.memory_space<vmem>>) semaphore(%arg21 : memref<!tpu.dma_semaphore, #tpu.memory_space<semaphore_mem>>) {add = true}
      %mul3A_263 = arith.constant 2 : i32
      %mul3A_264 = arith.muli %mul3A_263, %scan3A_151 : i32
      %add3A_265 = arith.constant 1 : i32
      %add3A_266 = arith.addi %mul3A_264, %add3A_265 : i32
      %add3A_267 = arith.constant 1 : i32
      %add3A_268 = arith.addi %add3A_266, %add3A_267 : i32
      %dma_start3A_269 = arith.constant 0 : i32
      %dma_start3A_270 = arith.constant 0 : i32
      %dma_start3A_271 = tpu.memref_slice %arg4[%add3A, %add3A_268, %dma_start3A_269, %dma_start3A_270] : memref<32x125x6x40xi32, #tpu.memory_space<hbm>> -> memref<1x1x6x40xi32, #tpu.memory_space<hbm>>
      %dma_start3A_272 = tpu.memref_squeeze %dma_start3A_271 : memref<1x1x6x40xi32, #tpu.memory_space<hbm>> -> memref<6x40xi32, #tpu.memory_space<hbm>>
      %dma_start3A_273 = arith.constant 0 : i32
      %dma_start3A_274 = arith.constant 0 : i32
      %dma_start3A_275 = tpu.memref_slice %arg4[%add3A, %add3A_268, %dma_start3A_273, %dma_start3A_274] : memref<32x125x6x40xi32, #tpu.memory_space<hbm>> -> memref<1x1x6x40xi32, #tpu.memory_space<hbm>>
      %dma_start3A_276 = tpu.memref_squeeze %dma_start3A_275 : memref<1x1x6x40xi32, #tpu.memory_space<hbm>> -> memref<6x40xi32, #tpu.memory_space<hbm>>
      tpu.enqueue_dma source(%dma_start3A_276 : memref<6x40xi32, #tpu.memory_space<hbm>>) target(%arg6 : memref<6x40xi32, #tpu.memory_space<vmem>>) target_semaphore(%arg22 : memref<!tpu.dma_semaphore, #tpu.memory_space<semaphore_mem>>)
      %dma_wait3A_277 = arith.constant 0 : i32
      %dma_wait3A_278 = arith.constant 0 : i32
      %dma_wait3A_279 = tpu.memref_slice %arg2[%dma_wait3A_277, %dma_wait3A_278] : memref<320000x128xf32, #tpu.memory_space<hbm>> -> memref<40x128xf32, #tpu.memory_space<hbm>>
      %dma_wait3A_280 = arith.constant 0 : i32
      %dma_wait3A_281 = arith.constant 0 : i32
      %dma_wait3A_282 = tpu.memref_slice %arg2[%dma_wait3A_280, %dma_wait3A_281] : memref<320000x128xf32, #tpu.memory_space<hbm>> -> memref<40x128xf32, #tpu.memory_space<hbm>>
      tpu.wait_dma2 semaphore(%arg16 : memref<!tpu.dma_semaphore, #tpu.memory_space<semaphore_mem>>) src(%dma_wait3A_282 : memref<40x128xf32, #tpu.memory_space<hbm>>) dst(%arg8 : memref<40x128xf32, #tpu.memory_space<vmem>>)
      %dma_wait3A_283 = arith.constant 0 : i32
      %dma_wait3A_284 = arith.constant 0 : i32
      %dma_wait3A_285 = tpu.memref_slice %arg3[%dma_wait3A_283, %dma_wait3A_284] : memref<10000x128xf32, #tpu.memory_space<hbm>> -> memref<40x128xf32, #tpu.memory_space<hbm>>
      %dma_wait3A_286 = arith.constant 0 : i32
      %dma_wait3A_287 = arith.constant 0 : i32
      %dma_wait3A_288 = tpu.memref_slice %arg3[%dma_wait3A_286, %dma_wait3A_287] : memref<10000x128xf32, #tpu.memory_space<hbm>> -> memref<40x128xf32, #tpu.memory_space<hbm>>
      tpu.wait_dma2 semaphore(%arg18 : memref<!tpu.dma_semaphore, #tpu.memory_space<semaphore_mem>>) src(%dma_wait3A_288 : memref<40x128xf32, #tpu.memory_space<hbm>>) dst(%arg10 : memref<40x128xf32, #tpu.memory_space<vmem>>)
      %dma_wait3A_289 = arith.constant 0 : i32
      %dma_wait3A_290 = arith.constant 0 : i32
      %dma_wait3A_291 = tpu.memref_slice %arg2[%dma_wait3A_289, %dma_wait3A_290] : memref<320000x128xf32, #tpu.memory_space<hbm>> -> memref<40x128xf32, #tpu.memory_space<hbm>>
      %dma_wait3A_292 = arith.constant 0 : i32
      %dma_wait3A_293 = arith.constant 0 : i32
      %dma_wait3A_294 = tpu.memref_slice %arg2[%dma_wait3A_292, %dma_wait3A_293] : memref<320000x128xf32, #tpu.memory_space<hbm>> -> memref<40x128xf32, #tpu.memory_space<hbm>>
      tpu.wait_dma2 semaphore(%arg20 : memref<!tpu.dma_semaphore, #tpu.memory_space<semaphore_mem>>) src(%dma_wait3A_294 : memref<40x128xf32, #tpu.memory_space<hbm>>) dst(%arg12 : memref<40x128xf32, #tpu.memory_space<vmem>>)
      %scan3A_295 = arith.constant 0 : i32
      %scan3A_296 = arith.constant 0 : i32
      %scan3A_297 = arith.constant 40 : i32
      %scan3A_298 = arith.addi %scan3A_296, %scan3A_297 : i32
      %scan3A_299 = arith.constant 1 : i32
      scf.for %scan3A_376 = %scan3A_296 to %scan3A_298 step %scan3A_299  : i32 {
        %get3A = arith.index_cast %scan3A_376 : i32 to index
        %get3A_377 = arith.constant 0 : index
        %get3A_378 = tpu.vector_load %arg8[%get3A, %get3A_377] {strides = array<i32>} : memref<40x128xf32, #tpu.memory_space<vmem>>, vector<1x16xf32>,
        %get3A_379 = vector.shape_cast %get3A_378 : vector<1x16xf32> to vector<16xf32>
        %get3A_380 = arith.index_cast %scan3A_376 : i32 to index
        %get3A_381 = arith.constant 0 : index
        %get3A_382 = tpu.vector_load %arg10[%get3A_380, %get3A_381] {strides = array<i32>} : memref<40x128xf32, #tpu.memory_space<vmem>>, vector<1x16xf32>,
        %get3A_383 = vector.shape_cast %get3A_382 : vector<1x16xf32> to vector<16xf32>
        %mul3A_384 = arith.mulf %get3A_379, %get3A_383 : vector<16xf32>
        %swap3A_385 = arith.index_cast %scan3A_376 : i32 to index
        %swap3A_386 = arith.constant 0 : index
        %swap3A_387 = tpu.vector_load %arg12[%swap3A_385, %swap3A_386] {strides = array<i32>} : memref<40x128xf32, #tpu.memory_space<vmem>>, vector<1x16xf32>,
        %swap3A_388 = vector.shape_cast %swap3A_387 : vector<1x16xf32> to vector<16xf32>
        %swap3A_389 = vector.shape_cast %mul3A_384 : vector<16xf32> to vector<1x16xf32>
        tpu.vector_store %arg12[%swap3A_385, %swap3A_386], %swap3A_389 {strides = array<i32>} : memref<40x128xf32, #tpu.memory_space<vmem>>, vector<1x16xf32>,
        %get3A_390 = arith.index_cast %scan3A_376 : i32 to index
        %get3A_391 = arith.constant 16 : index
        %get3A_392 = tpu.vector_load %arg8[%get3A_390, %get3A_391] {strides = array<i32>} : memref<40x128xf32, #tpu.memory_space<vmem>>, vector<1x16xf32>,
        %get3A_393 = vector.shape_cast %get3A_392 : vector<1x16xf32> to vector<16xf32>
        %get3A_394 = arith.index_cast %scan3A_376 : i32 to index
        %get3A_395 = arith.constant 16 : index
        %get3A_396 = tpu.vector_load %arg10[%get3A_394, %get3A_395] {strides = array<i32>} : memref<40x128xf32, #tpu.memory_space<vmem>>, vector<1x16xf32>,
        %get3A_397 = vector.shape_cast %get3A_396 : vector<1x16xf32> to vector<16xf32>
        %mul3A_398 = arith.mulf %get3A_393, %get3A_397 : vector<16xf32>
        %swap3A_399 = arith.index_cast %scan3A_376 : i32 to index
        %swap3A_400 = arith.constant 16 : index
        %swap3A_401 = tpu.vector_load %arg12[%swap3A_399, %swap3A_400] {strides = array<i32>} : memref<40x128xf32, #tpu.memory_space<vmem>>, vector<1x16xf32>,
        %swap3A_402 = vector.shape_cast %swap3A_401 : vector<1x16xf32> to vector<16xf32>
        %swap3A_403 = vector.shape_cast %mul3A_398 : vector<16xf32> to vector<1x16xf32>
        tpu.vector_store %arg12[%swap3A_399, %swap3A_400], %swap3A_403 {strides = array<i32>} : memref<40x128xf32, #tpu.memory_space<vmem>>, vector<1x16xf32>,
        %get3A_404 = arith.index_cast %scan3A_376 : i32 to index
        %get3A_405 = arith.constant 32 : index
        %get3A_406 = tpu.vector_load %arg8[%get3A_404, %get3A_405] {strides = array<i32>} : memref<40x128xf32, #tpu.memory_space<vmem>>, vector<1x16xf32>,
        %get3A_407 = vector.shape_cast %get3A_406 : vector<1x16xf32> to vector<16xf32>
        %get3A_408 = arith.index_cast %scan3A_376 : i32 to index
        %get3A_409 = arith.constant 32 : index
        %get3A_410 = tpu.vector_load %arg10[%get3A_408, %get3A_409] {strides = array<i32>} : memref<40x128xf32, #tpu.memory_space<vmem>>, vector<1x16xf32>,
        %get3A_411 = vector.shape_cast %get3A_410 : vector<1x16xf32> to vector<16xf32>
        %mul3A_412 = arith.mulf %get3A_407, %get3A_411 : vector<16xf32>
        %swap3A_413 = arith.index_cast %scan3A_376 : i32 to index
        %swap3A_414 = arith.constant 32 : index
        %swap3A_415 = tpu.vector_load %arg12[%swap3A_413, %swap3A_414] {strides = array<i32>} : memref<40x128xf32, #tpu.memory_space<vmem>>, vector<1x16xf32>,
        %swap3A_416 = vector.shape_cast %swap3A_415 : vector<1x16xf32> to vector<16xf32>
        %swap3A_417 = vector.shape_cast %mul3A_412 : vector<16xf32> to vector<1x16xf32>
        tpu.vector_store %arg12[%swap3A_413, %swap3A_414], %swap3A_417 {strides = array<i32>} : memref<40x128xf32, #tpu.memory_space<vmem>>, vector<1x16xf32>,
        %get3A_418 = arith.index_cast %scan3A_376 : i32 to index
        %get3A_419 = arith.constant 48 : index
        %get3A_420 = tpu.vector_load %arg8[%get3A_418, %get3A_419] {strides = array<i32>} : memref<40x128xf32, #tpu.memory_space<vmem>>, vector<1x16xf32>,
        %get3A_421 = vector.shape_cast %get3A_420 : vector<1x16xf32> to vector<16xf32>
        %get3A_422 = arith.index_cast %scan3A_376 : i32 to index
        %get3A_423 = arith.constant 48 : index
        %get3A_424 = tpu.vector_load %arg10[%get3A_422, %get3A_423] {strides = array<i32>} : memref<40x128xf32, #tpu.memory_space<vmem>>, vector<1x16xf32>,
        %get3A_425 = vector.shape_cast %get3A_424 : vector<1x16xf32> to vector<16xf32>
        %mul3A_426 = arith.mulf %get3A_421, %get3A_425 : vector<16xf32>
        %swap3A_427 = arith.index_cast %scan3A_376 : i32 to index
        %swap3A_428 = arith.constant 48 : index
        %swap3A_429 = tpu.vector_load %arg12[%swap3A_427, %swap3A_428] {strides = array<i32>} : memref<40x128xf32, #tpu.memory_space<vmem>>, vector<1x16xf32>,
        %swap3A_430 = vector.shape_cast %swap3A_429 : vector<1x16xf32> to vector<16xf32>
        %swap3A_431 = vector.shape_cast %mul3A_426 : vector<16xf32> to vector<1x16xf32>
        tpu.vector_store %arg12[%swap3A_427, %swap3A_428], %swap3A_431 {strides = array<i32>} : memref<40x128xf32, #tpu.memory_space<vmem>>, vector<1x16xf32>,
        %get3A_432 = arith.index_cast %scan3A_376 : i32 to index
        %get3A_433 = arith.constant 64 : index
        %get3A_434 = tpu.vector_load %arg8[%get3A_432, %get3A_433] {strides = array<i32>} : memref<40x128xf32, #tpu.memory_space<vmem>>, vector<1x16xf32>,
        %get3A_435 = vector.shape_cast %get3A_434 : vector<1x16xf32> to vector<16xf32>
        %get3A_436 = arith.index_cast %scan3A_376 : i32 to index
        %get3A_437 = arith.constant 64 : index
        %get3A_438 = tpu.vector_load %arg10[%get3A_436, %get3A_437] {strides = array<i32>} : memref<40x128xf32, #tpu.memory_space<vmem>>, vector<1x16xf32>,
        %get3A_439 = vector.shape_cast %get3A_438 : vector<1x16xf32> to vector<16xf32>
        %mul3A_440 = arith.mulf %get3A_435, %get3A_439 : vector<16xf32>
        %swap3A_441 = arith.index_cast %scan3A_376 : i32 to index
        %swap3A_442 = arith.constant 64 : index
        %swap3A_443 = tpu.vector_load %arg12[%swap3A_441, %swap3A_442] {strides = array<i32>} : memref<40x128xf32, #tpu.memory_space<vmem>>, vector<1x16xf32>,
        %swap3A_444 = vector.shape_cast %swap3A_443 : vector<1x16xf32> to vector<16xf32>
        %swap3A_445 = vector.shape_cast %mul3A_440 : vector<16xf32> to vector<1x16xf32>
        tpu.vector_store %arg12[%swap3A_441, %swap3A_442], %swap3A_445 {strides = array<i32>} : memref<40x128xf32, #tpu.memory_space<vmem>>, vector<1x16xf32>,
        %get3A_446 = arith.index_cast %scan3A_376 : i32 to index
        %get3A_447 = arith.constant 80 : index
        %get3A_448 = tpu.vector_load %arg8[%get3A_446, %get3A_447] {strides = array<i32>} : memref<40x128xf32, #tpu.memory_space<vmem>>, vector<1x16xf32>,
        %get3A_449 = vector.shape_cast %get3A_448 : vector<1x16xf32> to vector<16xf32>
        %get3A_450 = arith.index_cast %scan3A_376 : i32 to index
        %get3A_451 = arith.constant 80 : index
        %get3A_452 = tpu.vector_load %arg10[%get3A_450, %get3A_451] {strides = array<i32>} : memref<40x128xf32, #tpu.memory_space<vmem>>, vector<1x16xf32>,
        %get3A_453 = vector.shape_cast %get3A_452 : vector<1x16xf32> to vector<16xf32>
        %mul3A_454 = arith.mulf %get3A_449, %get3A_453 : vector<16xf32>
        %swap3A_455 = arith.index_cast %scan3A_376 : i32 to index
        %swap3A_456 = arith.constant 80 : index
        %swap3A_457 = tpu.vector_load %arg12[%swap3A_455, %swap3A_456] {strides = array<i32>} : memref<40x128xf32, #tpu.memory_space<vmem>>, vector<1x16xf32>,
        %swap3A_458 = vector.shape_cast %swap3A_457 : vector<1x16xf32> to vector<16xf32>
        %swap3A_459 = vector.shape_cast %mul3A_454 : vector<16xf32> to vector<1x16xf32>
        tpu.vector_store %arg12[%swap3A_455, %swap3A_456], %swap3A_459 {strides = array<i32>} : memref<40x128xf32, #tpu.memory_space<vmem>>, vector<1x16xf32>,
        %get3A_460 = arith.index_cast %scan3A_376 : i32 to index
        %get3A_461 = arith.constant 96 : index
        %get3A_462 = tpu.vector_load %arg8[%get3A_460, %get3A_461] {strides = array<i32>} : memref<40x128xf32, #tpu.memory_space<vmem>>, vector<1x16xf32>,
        %get3A_463 = vector.shape_cast %get3A_462 : vector<1x16xf32> to vector<16xf32>
        %get3A_464 = arith.index_cast %scan3A_376 : i32 to index
        %get3A_465 = arith.constant 96 : index
        %get3A_466 = tpu.vector_load %arg10[%get3A_464, %get3A_465] {strides = array<i32>} : memref<40x128xf32, #tpu.memory_space<vmem>>, vector<1x16xf32>,
        %get3A_467 = vector.shape_cast %get3A_466 : vector<1x16xf32> to vector<16xf32>
        %mul3A_468 = arith.mulf %get3A_463, %get3A_467 : vector<16xf32>
        %swap3A_469 = arith.index_cast %scan3A_376 : i32 to index
        %swap3A_470 = arith.constant 96 : index
        %swap3A_471 = tpu.vector_load %arg12[%swap3A_469, %swap3A_470] {strides = array<i32>} : memref<40x128xf32, #tpu.memory_space<vmem>>, vector<1x16xf32>,
        %swap3A_472 = vector.shape_cast %swap3A_471 : vector<1x16xf32> to vector<16xf32>
        %swap3A_473 = vector.shape_cast %mul3A_468 : vector<16xf32> to vector<1x16xf32>
        tpu.vector_store %arg12[%swap3A_469, %swap3A_470], %swap3A_473 {strides = array<i32>} : memref<40x128xf32, #tpu.memory_space<vmem>>, vector<1x16xf32>,
        %get3A_474 = arith.index_cast %scan3A_376 : i32 to index
        %get3A_475 = arith.constant 112 : index
        %get3A_476 = tpu.vector_load %arg8[%get3A_474, %get3A_475] {strides = array<i32>} : memref<40x128xf32, #tpu.memory_space<vmem>>, vector<1x16xf32>,
        %get3A_477 = vector.shape_cast %get3A_476 : vector<1x16xf32> to vector<16xf32>
        %get3A_478 = arith.index_cast %scan3A_376 : i32 to index
        %get3A_479 = arith.constant 112 : index
        %get3A_480 = tpu.vector_load %arg10[%get3A_478, %get3A_479] {strides = array<i32>} : memref<40x128xf32, #tpu.memory_space<vmem>>, vector<1x16xf32>,
        %get3A_481 = vector.shape_cast %get3A_480 : vector<1x16xf32> to vector<16xf32>
        %mul3A_482 = arith.mulf %get3A_477, %get3A_481 : vector<16xf32>
        %swap3A_483 = arith.index_cast %scan3A_376 : i32 to index
        %swap3A_484 = arith.constant 112 : index
        %swap3A_485 = tpu.vector_load %arg12[%swap3A_483, %swap3A_484] {strides = array<i32>} : memref<40x128xf32, #tpu.memory_space<vmem>>, vector<1x16xf32>,
        %swap3A_486 = vector.shape_cast %swap3A_485 : vector<1x16xf32> to vector<16xf32>
        %swap3A_487 = vector.shape_cast %mul3A_482 : vector<16xf32> to vector<1x16xf32>
        tpu.vector_store %arg12[%swap3A_483, %swap3A_484], %swap3A_487 {strides = array<i32>} : memref<40x128xf32, #tpu.memory_space<vmem>>, vector<1x16xf32>,
      }
      %scan3A_300 = arith.constant 40 : i32
      %dma_wait3A_301 = arith.constant 0 : i32
      %dma_wait3A_302 = arith.constant 0 : i32
      %dma_wait3A_303 = arith.constant 0 : i32
      %dma_wait3A_304 = tpu.memref_slice %arg4[%add3A, %dma_wait3A_301, %dma_wait3A_302, %dma_wait3A_303] : memref<32x125x6x40xi32, #tpu.memory_space<hbm>> -> memref<1x1x6x40xi32, #tpu.memory_space<hbm>>
      %dma_wait3A_305 = tpu.memref_squeeze %dma_wait3A_304 : memref<1x1x6x40xi32, #tpu.memory_space<hbm>> -> memref<6x40xi32, #tpu.memory_space<hbm>>
      %dma_wait3A_306 = arith.constant 0 : i32
      %dma_wait3A_307 = arith.constant 0 : i32
      %dma_wait3A_308 = tpu.memref_slice %arg4[%add3A, %dma_wait3A_301, %dma_wait3A_306, %dma_wait3A_307] : memref<32x125x6x40xi32, #tpu.memory_space<hbm>> -> memref<1x1x6x40xi32, #tpu.memory_space<hbm>>
      %dma_wait3A_309 = tpu.memref_squeeze %dma_wait3A_308 : memref<1x1x6x40xi32, #tpu.memory_space<hbm>> -> memref<6x40xi32, #tpu.memory_space<hbm>>
      tpu.wait_dma2 semaphore(%arg22 : memref<!tpu.dma_semaphore, #tpu.memory_space<semaphore_mem>>) src(%dma_wait3A_309 : memref<6x40xi32, #tpu.memory_space<hbm>>) dst(%arg6 : memref<6x40xi32, #tpu.memory_space<vmem>>)
      %dma_start3A_310 = arith.constant 0 : i32
      %dma_start3A_311 = arith.constant 0 : i32
      %dma_start3A_312 = tpu.memref_slice %arg6[%dma_start3A_310, %dma_start3A_311] : memref<6x40xi32, #tpu.memory_space<vmem>> -> memref<1x40xi32, #tpu.memory_space<vmem>>
      %dma_start3A_313 = tpu.memref_squeeze %dma_start3A_312 : memref<1x40xi32, #tpu.memory_space<vmem>> -> memref<40xi32, #tpu.memory_space<vmem>>
      %dma_start3A_314 = arith.constant 0 : i32
      %dma_start3A_315 = arith.constant 0 : i32
      %dma_start3A_316 = tpu.memref_slice %arg2[%dma_start3A_314, %dma_start3A_315] : memref<320000x128xf32, #tpu.memory_space<hbm>> -> memref<320000x128xf32, #tpu.memory_space<hbm>>
      tpu.enqueue_indirect_dma source(%dma_start3A_316 : memref<320000x128xf32, #tpu.memory_space<hbm>>) target(%arg8 : memref<40x128xf32, #tpu.memory_space<vmem>>) offsets(%dma_start3A_313 : memref<40xi32, #tpu.memory_space<vmem>>) semaphore(%arg16 : memref<!tpu.dma_semaphore, #tpu.memory_space<semaphore_mem>>)
      %dma_start3A_317 = arith.constant 2 : i32
      %dma_start3A_318 = arith.constant 0 : i32
      %dma_start3A_319 = tpu.memref_slice %arg6[%dma_start3A_317, %dma_start3A_318] : memref<6x40xi32, #tpu.memory_space<vmem>> -> memref<1x40xi32, #tpu.memory_space<vmem>>
      %dma_start3A_320 = tpu.memref_squeeze %dma_start3A_319 : memref<1x40xi32, #tpu.memory_space<vmem>> -> memref<40xi32, #tpu.memory_space<vmem>>
      %dma_start3A_321 = arith.constant 0 : i32
      %dma_start3A_322 = arith.constant 0 : i32
      %dma_start3A_323 = tpu.memref_slice %arg3[%dma_start3A_321, %dma_start3A_322] : memref<10000x128xf32, #tpu.memory_space<hbm>> -> memref<10000x128xf32, #tpu.memory_space<hbm>>
      tpu.enqueue_indirect_dma source(%dma_start3A_323 : memref<10000x128xf32, #tpu.memory_space<hbm>>) target(%arg10 : memref<40x128xf32, #tpu.memory_space<vmem>>) offsets(%dma_start3A_320 : memref<40xi32, #tpu.memory_space<vmem>>) semaphore(%arg18 : memref<!tpu.dma_semaphore, #tpu.memory_space<semaphore_mem>>)
      %dma_start3A_324 = arith.constant 4 : i32
      %dma_start3A_325 = arith.constant 0 : i32
      %dma_start3A_326 = tpu.memref_slice %arg7[%dma_start3A_324, %dma_start3A_325] : memref<6x40xi32, #tpu.memory_space<vmem>> -> memref<1x40xi32, #tpu.memory_space<vmem>>
      %dma_start3A_327 = tpu.memref_squeeze %dma_start3A_326 : memref<1x40xi32, #tpu.memory_space<vmem>> -> memref<40xi32, #tpu.memory_space<vmem>>
      %dma_start3A_328 = arith.constant 0 : i32
      %dma_start3A_329 = arith.constant 0 : i32
      %dma_start3A_330 = tpu.memref_slice %arg15[%dma_start3A_328, %dma_start3A_329] : memref<10112x128xf32, #tpu.memory_space<vmem_shared>> -> memref<10112x128xf32, #tpu.memory_space<vmem_shared>>
      tpu.enqueue_indirect_dma source(%arg12 : memref<40x128xf32, #tpu.memory_space<vmem>>) target(%dma_start3A_330 : memref<10112x128xf32, #tpu.memory_space<vmem_shared>>) offsets(%dma_start3A_327 : memref<40xi32, #tpu.memory_space<vmem>>) semaphore(%arg20 : memref<!tpu.dma_semaphore, #tpu.memory_space<semaphore_mem>>) {add = true}
      %dma_wait3A_331 = arith.constant 0 : i32
      %dma_wait3A_332 = arith.constant 0 : i32
      %dma_wait3A_333 = tpu.memref_slice %arg2[%dma_wait3A_331, %dma_wait3A_332] : memref<320000x128xf32, #tpu.memory_space<hbm>> -> memref<40x128xf32, #tpu.memory_space<hbm>>
      %dma_wait3A_334 = arith.constant 0 : i32
      %dma_wait3A_335 = arith.constant 0 : i32
      %dma_wait3A_336 = tpu.memref_slice %arg2[%dma_wait3A_334, %dma_wait3A_335] : memref<320000x128xf32, #tpu.memory_space<hbm>> -> memref<40x128xf32, #tpu.memory_space<hbm>>
      tpu.wait_dma2 semaphore(%arg17 : memref<!tpu.dma_semaphore, #tpu.memory_space<semaphore_mem>>) src(%dma_wait3A_336 : memref<40x128xf32, #tpu.memory_space<hbm>>) dst(%arg9 : memref<40x128xf32, #tpu.memory_space<vmem>>)
      %dma_wait3A_337 = arith.constant 0 : i32
      %dma_wait3A_338 = arith.constant 0 : i32
      %dma_wait3A_339 = tpu.memref_slice %arg3[%dma_wait3A_337, %dma_wait3A_338] : memref<10000x128xf32, #tpu.memory_space<hbm>> -> memref<40x128xf32, #tpu.memory_space<hbm>>
      %dma_wait3A_340 = arith.constant 0 : i32
      %dma_wait3A_341 = arith.constant 0 : i32
      %dma_wait3A_342 = tpu.memref_slice %arg3[%dma_wait3A_340, %dma_wait3A_341] : memref<10000x128xf32, #tpu.memory_space<hbm>> -> memref<40x128xf32, #tpu.memory_space<hbm>>
      tpu.wait_dma2 semaphore(%arg19 : memref<!tpu.dma_semaphore, #tpu.memory_space<semaphore_mem>>) src(%dma_wait3A_342 : memref<40x128xf32, #tpu.memory_space<hbm>>) dst(%arg11 : memref<40x128xf32, #tpu.memory_space<vmem>>)
      %dma_wait3A_343 = arith.constant 0 : i32
      %dma_wait3A_344 = arith.constant 0 : i32
      %dma_wait3A_345 = tpu.memref_slice %arg2[%dma_wait3A_343, %dma_wait3A_344] : memref<320000x128xf32, #tpu.memory_space<hbm>> -> memref<40x128xf32, #tpu.memory_space<hbm>>
      %dma_wait3A_346 = arith.constant 0 : i32
      %dma_wait3A_347 = arith.constant 0 : i32
      %dma_wait3A_348 = tpu.memref_slice %arg2[%dma_wait3A_346, %dma_wait3A_347] : memref<320000x128xf32, #tpu.memory_space<hbm>> -> memref<40x128xf32, #tpu.memory_space<hbm>>
      tpu.wait_dma2 semaphore(%arg21 : memref<!tpu.dma_semaphore, #tpu.memory_space<semaphore_mem>>) src(%dma_wait3A_348 : memref<40x128xf32, #tpu.memory_space<hbm>>) dst(%arg13 : memref<40x128xf32, #tpu.memory_space<vmem>>)
      %scan3A_349 = arith.constant 0 : i32
      %scan3A_350 = arith.constant 0 : i32
      %scan3A_351 = arith.constant 40 : i32
      %scan3A_352 = arith.addi %scan3A_350, %scan3A_351 : i32
      %scan3A_353 = arith.constant 1 : i32
      scf.for %scan3A_376 = %scan3A_350 to %scan3A_352 step %scan3A_353  : i32 {
        %get3A = arith.index_cast %scan3A_376 : i32 to index
        %get3A_377 = arith.constant 0 : index
        %get3A_378 = tpu.vector_load %arg9[%get3A, %get3A_377] {strides = array<i32>} : memref<40x128xf32, #tpu.memory_space<vmem>>, vector<1x16xf32>,
        %get3A_379 = vector.shape_cast %get3A_378 : vector<1x16xf32> to vector<16xf32>
        %get3A_380 = arith.index_cast %scan3A_376 : i32 to index
        %get3A_381 = arith.constant 0 : index
        %get3A_382 = tpu.vector_load %arg11[%get3A_380, %get3A_381] {strides = array<i32>} : memref<40x128xf32, #tpu.memory_space<vmem>>, vector<1x16xf32>,
        %get3A_383 = vector.shape_cast %get3A_382 : vector<1x16xf32> to vector<16xf32>
        %mul3A_384 = arith.mulf %get3A_379, %get3A_383 : vector<16xf32>
        %swap3A_385 = arith.index_cast %scan3A_376 : i32 to index
        %swap3A_386 = arith.constant 0 : index
        %swap3A_387 = tpu.vector_load %arg13[%swap3A_385, %swap3A_386] {strides = array<i32>} : memref<40x128xf32, #tpu.memory_space<vmem>>, vector<1x16xf32>,
        %swap3A_388 = vector.shape_cast %swap3A_387 : vector<1x16xf32> to vector<16xf32>
        %swap3A_389 = vector.shape_cast %mul3A_384 : vector<16xf32> to vector<1x16xf32>
        tpu.vector_store %arg13[%swap3A_385, %swap3A_386], %swap3A_389 {strides = array<i32>} : memref<40x128xf32, #tpu.memory_space<vmem>>, vector<1x16xf32>,
        %get3A_390 = arith.index_cast %scan3A_376 : i32 to index
        %get3A_391 = arith.constant 16 : index
        %get3A_392 = tpu.vector_load %arg9[%get3A_390, %get3A_391] {strides = array<i32>} : memref<40x128xf32, #tpu.memory_space<vmem>>, vector<1x16xf32>,
        %get3A_393 = vector.shape_cast %get3A_392 : vector<1x16xf32> to vector<16xf32>
        %get3A_394 = arith.index_cast %scan3A_376 : i32 to index
        %get3A_395 = arith.constant 16 : index
        %get3A_396 = tpu.vector_load %arg11[%get3A_394, %get3A_395] {strides = array<i32>} : memref<40x128xf32, #tpu.memory_space<vmem>>, vector<1x16xf32>,
        %get3A_397 = vector.shape_cast %get3A_396 : vector<1x16xf32> to vector<16xf32>
        %mul3A_398 = arith.mulf %get3A_393, %get3A_397 : vector<16xf32>
        %swap3A_399 = arith.index_cast %scan3A_376 : i32 to index
        %swap3A_400 = arith.constant 16 : index
        %swap3A_401 = tpu.vector_load %arg13[%swap3A_399, %swap3A_400] {strides = array<i32>} : memref<40x128xf32, #tpu.memory_space<vmem>>, vector<1x16xf32>,
        %swap3A_402 = vector.shape_cast %swap3A_401 : vector<1x16xf32> to vector<16xf32>
        %swap3A_403 = vector.shape_cast %mul3A_398 : vector<16xf32> to vector<1x16xf32>
        tpu.vector_store %arg13[%swap3A_399, %swap3A_400], %swap3A_403 {strides = array<i32>} : memref<40x128xf32, #tpu.memory_space<vmem>>, vector<1x16xf32>,
        %get3A_404 = arith.index_cast %scan3A_376 : i32 to index
        %get3A_405 = arith.constant 32 : index
        %get3A_406 = tpu.vector_load %arg9[%get3A_404, %get3A_405] {strides = array<i32>} : memref<40x128xf32, #tpu.memory_space<vmem>>, vector<1x16xf32>,
        %get3A_407 = vector.shape_cast %get3A_406 : vector<1x16xf32> to vector<16xf32>
        %get3A_408 = arith.index_cast %scan3A_376 : i32 to index
        %get3A_409 = arith.constant 32 : index
        %get3A_410 = tpu.vector_load %arg11[%get3A_408, %get3A_409] {strides = array<i32>} : memref<40x128xf32, #tpu.memory_space<vmem>>, vector<1x16xf32>,
        %get3A_411 = vector.shape_cast %get3A_410 : vector<1x16xf32> to vector<16xf32>
        %mul3A_412 = arith.mulf %get3A_407, %get3A_411 : vector<16xf32>
        %swap3A_413 = arith.index_cast %scan3A_376 : i32 to index
        %swap3A_414 = arith.constant 32 : index
        %swap3A_415 = tpu.vector_load %arg13[%swap3A_413, %swap3A_414] {strides = array<i32>} : memref<40x128xf32, #tpu.memory_space<vmem>>, vector<1x16xf32>,
        %swap3A_416 = vector.shape_cast %swap3A_415 : vector<1x16xf32> to vector<16xf32>
        %swap3A_417 = vector.shape_cast %mul3A_412 : vector<16xf32> to vector<1x16xf32>
        tpu.vector_store %arg13[%swap3A_413, %swap3A_414], %swap3A_417 {strides = array<i32>} : memref<40x128xf32, #tpu.memory_space<vmem>>, vector<1x16xf32>,
        %get3A_418 = arith.index_cast %scan3A_376 : i32 to index
        %get3A_419 = arith.constant 48 : index
        %get3A_420 = tpu.vector_load %arg9[%get3A_418, %get3A_419] {strides = array<i32>} : memref<40x128xf32, #tpu.memory_space<vmem>>, vector<1x16xf32>,
        %get3A_421 = vector.shape_cast %get3A_420 : vector<1x16xf32> to vector<16xf32>
        %get3A_422 = arith.index_cast %scan3A_376 : i32 to index
        %get3A_423 = arith.constant 48 : index
        %get3A_424 = tpu.vector_load %arg11[%get3A_422, %get3A_423] {strides = array<i32>} : memref<40x128xf32, #tpu.memory_space<vmem>>, vector<1x16xf32>,
        %get3A_425 = vector.shape_cast %get3A_424 : vector<1x16xf32> to vector<16xf32>
        %mul3A_426 = arith.mulf %get3A_421, %get3A_425 : vector<16xf32>
        %swap3A_427 = arith.index_cast %scan3A_376 : i32 to index
        %swap3A_428 = arith.constant 48 : index
        %swap3A_429 = tpu.vector_load %arg13[%swap3A_427, %swap3A_428] {strides = array<i32>} : memref<40x128xf32, #tpu.memory_space<vmem>>, vector<1x16xf32>,
        %swap3A_430 = vector.shape_cast %swap3A_429 : vector<1x16xf32> to vector<16xf32>
        %swap3A_431 = vector.shape_cast %mul3A_426 : vector<16xf32> to vector<1x16xf32>
        tpu.vector_store %arg13[%swap3A_427, %swap3A_428], %swap3A_431 {strides = array<i32>} : memref<40x128xf32, #tpu.memory_space<vmem>>, vector<1x16xf32>,
        %get3A_432 = arith.index_cast %scan3A_376 : i32 to index
        %get3A_433 = arith.constant 64 : index
        %get3A_434 = tpu.vector_load %arg9[%get3A_432, %get3A_433] {strides = array<i32>} : memref<40x128xf32, #tpu.memory_space<vmem>>, vector<1x16xf32>,
        %get3A_435 = vector.shape_cast %get3A_434 : vector<1x16xf32> to vector<16xf32>
        %get3A_436 = arith.index_cast %scan3A_376 : i32 to index
        %get3A_437 = arith.constant 64 : index
        %get3A_438 = tpu.vector_load %arg11[%get3A_436, %get3A_437] {strides = array<i32>} : memref<40x128xf32, #tpu.memory_space<vmem>>, vector<1x16xf32>,
        %get3A_439 = vector.shape_cast %get3A_438 : vector<1x16xf32> to vector<16xf32>
        %mul3A_440 = arith.mulf %get3A_435, %get3A_439 : vector<16xf32>
        %swap3A_441 = arith.index_cast %scan3A_376 : i32 to index
        %swap3A_442 = arith.constant 64 : index
        %swap3A_443 = tpu.vector_load %arg13[%swap3A_441, %swap3A_442] {strides = array<i32>} : memref<40x128xf32, #tpu.memory_space<vmem>>, vector<1x16xf32>,
        %swap3A_444 = vector.shape_cast %swap3A_443 : vector<1x16xf32> to vector<16xf32>
        %swap3A_445 = vector.shape_cast %mul3A_440 : vector<16xf32> to vector<1x16xf32>
        tpu.vector_store %arg13[%swap3A_441, %swap3A_442], %swap3A_445 {strides = array<i32>} : memref<40x128xf32, #tpu.memory_space<vmem>>, vector<1x16xf32>,
        %get3A_446 = arith.index_cast %scan3A_376 : i32 to index
        %get3A_447 = arith.constant 80 : index
        %get3A_448 = tpu.vector_load %arg9[%get3A_446, %get3A_447] {strides = array<i32>} : memref<40x128xf32, #tpu.memory_space<vmem>>, vector<1x16xf32>,
        %get3A_449 = vector.shape_cast %get3A_448 : vector<1x16xf32> to vector<16xf32>
        %get3A_450 = arith.index_cast %scan3A_376 : i32 to index
        %get3A_451 = arith.constant 80 : index
        %get3A_452 = tpu.vector_load %arg11[%get3A_450, %get3A_451] {strides = array<i32>} : memref<40x128xf32, #tpu.memory_space<vmem>>, vector<1x16xf32>,
        %get3A_453 = vector.shape_cast %get3A_452 : vector<1x16xf32> to vector<16xf32>
        %mul3A_454 = arith.mulf %get3A_449, %get3A_453 : vector<16xf32>
        %swap3A_455 = arith.index_cast %scan3A_376 : i32 to index
        %swap3A_456 = arith.constant 80 : index
        %swap3A_457 = tpu.vector_load %arg13[%swap3A_455, %swap3A_456] {strides = array<i32>} : memref<40x128xf32, #tpu.memory_space<vmem>>, vector<1x16xf32>,
        %swap3A_458 = vector.shape_cast %swap3A_457 : vector<1x16xf32> to vector<16xf32>
        %swap3A_459 = vector.shape_cast %mul3A_454 : vector<16xf32> to vector<1x16xf32>
        tpu.vector_store %arg13[%swap3A_455, %swap3A_456], %swap3A_459 {strides = array<i32>} : memref<40x128xf32, #tpu.memory_space<vmem>>, vector<1x16xf32>,
        %get3A_460 = arith.index_cast %scan3A_376 : i32 to index
        %get3A_461 = arith.constant 96 : index
        %get3A_462 = tpu.vector_load %arg9[%get3A_460, %get3A_461] {strides = array<i32>} : memref<40x128xf32, #tpu.memory_space<vmem>>, vector<1x16xf32>,
        %get3A_463 = vector.shape_cast %get3A_462 : vector<1x16xf32> to vector<16xf32>
        %get3A_464 = arith.index_cast %scan3A_376 : i32 to index
        %get3A_465 = arith.constant 96 : index
        %get3A_466 = tpu.vector_load %arg11[%get3A_464, %get3A_465] {strides = array<i32>} : memref<40x128xf32, #tpu.memory_space<vmem>>, vector<1x16xf32>,
        %get3A_467 = vector.shape_cast %get3A_466 : vector<1x16xf32> to vector<16xf32>
        %mul3A_468 = arith.mulf %get3A_463, %get3A_467 : vector<16xf32>
        %swap3A_469 = arith.index_cast %scan3A_376 : i32 to index
        %swap3A_470 = arith.constant 96 : index
        %swap3A_471 = tpu.vector_load %arg13[%swap3A_469, %swap3A_470] {strides = array<i32>} : memref<40x128xf32, #tpu.memory_space<vmem>>, vector<1x16xf32>,
        %swap3A_472 = vector.shape_cast %swap3A_471 : vector<1x16xf32> to vector<16xf32>
        %swap3A_473 = vector.shape_cast %mul3A_468 : vector<16xf32> to vector<1x16xf32>
        tpu.vector_store %arg13[%swap3A_469, %swap3A_470], %swap3A_473 {strides = array<i32>} : memref<40x128xf32, #tpu.memory_space<vmem>>, vector<1x16xf32>,
        %get3A_474 = arith.index_cast %scan3A_376 : i32 to index
        %get3A_475 = arith.constant 112 : index
        %get3A_476 = tpu.vector_load %arg9[%get3A_474, %get3A_475] {strides = array<i32>} : memref<40x128xf32, #tpu.memory_space<vmem>>, vector<1x16xf32>,
        %get3A_477 = vector.shape_cast %get3A_476 : vector<1x16xf32> to vector<16xf32>
        %get3A_478 = arith.index_cast %scan3A_376 : i32 to index
        %get3A_479 = arith.constant 112 : index
        %get3A_480 = tpu.vector_load %arg11[%get3A_478, %get3A_479] {strides = array<i32>} : memref<40x128xf32, #tpu.memory_space<vmem>>, vector<1x16xf32>,
        %get3A_481 = vector.shape_cast %get3A_480 : vector<1x16xf32> to vector<16xf32>
        %mul3A_482 = arith.mulf %get3A_477, %get3A_481 : vector<16xf32>
        %swap3A_483 = arith.index_cast %scan3A_376 : i32 to index
        %swap3A_484 = arith.constant 112 : index
        %swap3A_485 = tpu.vector_load %arg13[%swap3A_483, %swap3A_484] {strides = array<i32>} : memref<40x128xf32, #tpu.memory_space<vmem>>, vector<1x16xf32>,
        %swap3A_486 = vector.shape_cast %swap3A_485 : vector<1x16xf32> to vector<16xf32>
        %swap3A_487 = vector.shape_cast %mul3A_482 : vector<16xf32> to vector<1x16xf32>
        tpu.vector_store %arg13[%swap3A_483, %swap3A_484], %swap3A_487 {strides = array<i32>} : memref<40x128xf32, #tpu.memory_space<vmem>>, vector<1x16xf32>,
      }
      %scan3A_354 = arith.constant 40 : i32
      %dma_start3A_355 = arith.constant 1 : i32
      %dma_start3A_356 = arith.constant 0 : i32
      %dma_start3A_357 = tpu.memref_slice %arg6[%dma_start3A_355, %dma_start3A_356] : memref<6x40xi32, #tpu.memory_space<vmem>> -> memref<1x40xi32, #tpu.memory_space<vmem>>
      %dma_start3A_358 = tpu.memref_squeeze %dma_start3A_357 : memref<1x40xi32, #tpu.memory_space<vmem>> -> memref<40xi32, #tpu.memory_space<vmem>>
      %dma_start3A_359 = arith.constant 0 : i32
      %dma_start3A_360 = arith.constant 0 : i32
      %dma_start3A_361 = tpu.memref_slice %arg2[%dma_start3A_359, %dma_start3A_360] : memref<320000x128xf32, #tpu.memory_space<hbm>> -> memref<320000x128xf32, #tpu.memory_space<hbm>>
      tpu.enqueue_indirect_dma source(%dma_start3A_361 : memref<320000x128xf32, #tpu.memory_space<hbm>>) target(%arg9 : memref<40x128xf32, #tpu.memory_space<vmem>>) offsets(%dma_start3A_358 : memref<40xi32, #tpu.memory_space<vmem>>) semaphore(%arg17 : memref<!tpu.dma_semaphore, #tpu.memory_space<semaphore_mem>>)
      %dma_start3A_362 = arith.constant 3 : i32
      %dma_start3A_363 = arith.constant 0 : i32
      %dma_start3A_364 = tpu.memref_slice %arg6[%dma_start3A_362, %dma_start3A_363] : memref<6x40xi32, #tpu.memory_space<vmem>> -> memref<1x40xi32, #tpu.memory_space<vmem>>
      %dma_start3A_365 = tpu.memref_squeeze %dma_start3A_364 : memref<1x40xi32, #tpu.memory_space<vmem>> -> memref<40xi32, #tpu.memory_space<vmem>>
      %dma_start3A_366 = arith.constant 0 : i32
      %dma_start3A_367 = arith.constant 0 : i32
      %dma_start3A_368 = tpu.memref_slice %arg3[%dma_start3A_366, %dma_start3A_367] : memref<10000x128xf32, #tpu.memory_space<hbm>> -> memref<10000x128xf32, #tpu.memory_space<hbm>>
      tpu.enqueue_indirect_dma source(%dma_start3A_368 : memref<10000x128xf32, #tpu.memory_space<hbm>>) target(%arg11 : memref<40x128xf32, #tpu.memory_space<vmem>>) offsets(%dma_start3A_365 : memref<40xi32, #tpu.memory_space<vmem>>) semaphore(%arg19 : memref<!tpu.dma_semaphore, #tpu.memory_space<semaphore_mem>>)
      %dma_start3A_369 = arith.constant 5 : i32
      %dma_start3A_370 = arith.constant 0 : i32
      %dma_start3A_371 = tpu.memref_slice %arg7[%dma_start3A_369, %dma_start3A_370] : memref<6x40xi32, #tpu.memory_space<vmem>> -> memref<1x40xi32, #tpu.memory_space<vmem>>
      %dma_start3A_372 = tpu.memref_squeeze %dma_start3A_371 : memref<1x40xi32, #tpu.memory_space<vmem>> -> memref<40xi32, #tpu.memory_space<vmem>>
      %dma_start3A_373 = arith.constant 0 : i32
      %dma_start3A_374 = arith.constant 0 : i32
      %dma_start3A_375 = tpu.memref_slice %arg15[%dma_start3A_373, %dma_start3A_374] : memref<10112x128xf32, #tpu.memory_space<vmem_shared>> -> memref<10112x128xf32, #tpu.memory_space<vmem_shared>>
      tpu.enqueue_indirect_dma source(%arg13 : memref<40x128xf32, #tpu.memory_space<vmem>>) target(%dma_start3A_375 : memref<10112x128xf32, #tpu.memory_space<vmem_shared>>) offsets(%dma_start3A_372 : memref<40xi32, #tpu.memory_space<vmem>>) semaphore(%arg21 : memref<!tpu.dma_semaphore, #tpu.memory_space<semaphore_mem>>) {add = true}
    }
    %scan3A_76 = arith.constant 62 : i32
    %dma_wait3A = arith.constant 0 : i32
    %dma_wait3A_77 = arith.constant 0 : i32
    %dma_wait3A_78 = tpu.memref_slice %arg2[%dma_wait3A, %dma_wait3A_77] : memref<320000x128xf32, #tpu.memory_space<hbm>> -> memref<40x128xf32, #tpu.memory_space<hbm>>
    %dma_wait3A_79 = arith.constant 0 : i32
    %dma_wait3A_80 = arith.constant 0 : i32
    %dma_wait3A_81 = tpu.memref_slice %arg2[%dma_wait3A_79, %dma_wait3A_80] : memref<320000x128xf32, #tpu.memory_space<hbm>> -> memref<40x128xf32, #tpu.memory_space<hbm>>
    tpu.wait_dma2 semaphore(%arg16 : memref<!tpu.dma_semaphore, #tpu.memory_space<semaphore_mem>>) src(%dma_wait3A_81 : memref<40x128xf32, #tpu.memory_space<hbm>>) dst(%arg8 : memref<40x128xf32, #tpu.memory_space<vmem>>)
    %dma_wait3A_82 = arith.constant 0 : i32
    %dma_wait3A_83 = arith.constant 0 : i32
    %dma_wait3A_84 = tpu.memref_slice %arg3[%dma_wait3A_82, %dma_wait3A_83] : memref<10000x128xf32, #tpu.memory_space<hbm>> -> memref<40x128xf32, #tpu.memory_space<hbm>>
    %dma_wait3A_85 = arith.constant 0 : i32
    %dma_wait3A_86 = arith.constant 0 : i32
    %dma_wait3A_87 = tpu.memref_slice %arg3[%dma_wait3A_85, %dma_wait3A_86] : memref<10000x128xf32, #tpu.memory_space<hbm>> -> memref<40x128xf32, #tpu.memory_space<hbm>>
    tpu.wait_dma2 semaphore(%arg18 : memref<!tpu.dma_semaphore, #tpu.memory_space<semaphore_mem>>) src(%dma_wait3A_87 : memref<40x128xf32, #tpu.memory_space<hbm>>) dst(%arg10 : memref<40x128xf32, #tpu.memory_space<vmem>>)
    %dma_wait3A_88 = arith.constant 0 : i32
    %dma_wait3A_89 = arith.constant 0 : i32
    %dma_wait3A_90 = tpu.memref_slice %arg2[%dma_wait3A_88, %dma_wait3A_89] : memref<320000x128xf32, #tpu.memory_space<hbm>> -> memref<40x128xf32, #tpu.memory_space<hbm>>
    %dma_wait3A_91 = arith.constant 0 : i32
    %dma_wait3A_92 = arith.constant 0 : i32
    %dma_wait3A_93 = tpu.memref_slice %arg2[%dma_wait3A_91, %dma_wait3A_92] : memref<320000x128xf32, #tpu.memory_space<hbm>> -> memref<40x128xf32, #tpu.memory_space<hbm>>
    tpu.wait_dma2 semaphore(%arg20 : memref<!tpu.dma_semaphore, #tpu.memory_space<semaphore_mem>>) src(%dma_wait3A_93 : memref<40x128xf32, #tpu.memory_space<hbm>>) dst(%arg12 : memref<40x128xf32, #tpu.memory_space<vmem>>)
    %scan3A_94 = arith.constant 0 : i32
    %scan3A_95 = arith.constant 0 : i32
    %scan3A_96 = arith.constant 40 : i32
    %scan3A_97 = arith.addi %scan3A_95, %scan3A_96 : i32
    %scan3A_98 = arith.constant 1 : i32
    scf.for %scan3A_151 = %scan3A_95 to %scan3A_97 step %scan3A_98  : i32 {
      %get3A = arith.index_cast %scan3A_151 : i32 to index
      %get3A_152 = arith.constant 0 : index
      %get3A_153 = tpu.vector_load %arg8[%get3A, %get3A_152] {strides = array<i32>} : memref<40x128xf32, #tpu.memory_space<vmem>>, vector<1x16xf32>,
      %get3A_154 = vector.shape_cast %get3A_153 : vector<1x16xf32> to vector<16xf32>
      %get3A_155 = arith.index_cast %scan3A_151 : i32 to index
      %get3A_156 = arith.constant 0 : index
      %get3A_157 = tpu.vector_load %arg10[%get3A_155, %get3A_156] {strides = array<i32>} : memref<40x128xf32, #tpu.memory_space<vmem>>, vector<1x16xf32>,
      %get3A_158 = vector.shape_cast %get3A_157 : vector<1x16xf32> to vector<16xf32>
      %mul3A_159 = arith.mulf %get3A_154, %get3A_158 : vector<16xf32>
      %swap3A_160 = arith.index_cast %scan3A_151 : i32 to index
      %swap3A_161 = arith.constant 0 : index
      %swap3A_162 = tpu.vector_load %arg12[%swap3A_160, %swap3A_161] {strides = array<i32>} : memref<40x128xf32, #tpu.memory_space<vmem>>, vector<1x16xf32>,
      %swap3A_163 = vector.shape_cast %swap3A_162 : vector<1x16xf32> to vector<16xf32>
      %swap3A_164 = vector.shape_cast %mul3A_159 : vector<16xf32> to vector<1x16xf32>
      tpu.vector_store %arg12[%swap3A_160, %swap3A_161], %swap3A_164 {strides = array<i32>} : memref<40x128xf32, #tpu.memory_space<vmem>>, vector<1x16xf32>,
      %get3A_165 = arith.index_cast %scan3A_151 : i32 to index
      %get3A_166 = arith.constant 16 : index
      %get3A_167 = tpu.vector_load %arg8[%get3A_165, %get3A_166] {strides = array<i32>} : memref<40x128xf32, #tpu.memory_space<vmem>>, vector<1x16xf32>,
      %get3A_168 = vector.shape_cast %get3A_167 : vector<1x16xf32> to vector<16xf32>
      %get3A_169 = arith.index_cast %scan3A_151 : i32 to index
      %get3A_170 = arith.constant 16 : index
      %get3A_171 = tpu.vector_load %arg10[%get3A_169, %get3A_170] {strides = array<i32>} : memref<40x128xf32, #tpu.memory_space<vmem>>, vector<1x16xf32>,
      %get3A_172 = vector.shape_cast %get3A_171 : vector<1x16xf32> to vector<16xf32>
      %mul3A_173 = arith.mulf %get3A_168, %get3A_172 : vector<16xf32>
      %swap3A_174 = arith.index_cast %scan3A_151 : i32 to index
      %swap3A_175 = arith.constant 16 : index
      %swap3A_176 = tpu.vector_load %arg12[%swap3A_174, %swap3A_175] {strides = array<i32>} : memref<40x128xf32, #tpu.memory_space<vmem>>, vector<1x16xf32>,
      %swap3A_177 = vector.shape_cast %swap3A_176 : vector<1x16xf32> to vector<16xf32>
      %swap3A_178 = vector.shape_cast %mul3A_173 : vector<16xf32> to vector<1x16xf32>
      tpu.vector_store %arg12[%swap3A_174, %swap3A_175], %swap3A_178 {strides = array<i32>} : memref<40x128xf32, #tpu.memory_space<vmem>>, vector<1x16xf32>,
      %get3A_179 = arith.index_cast %scan3A_151 : i32 to index
      %get3A_180 = arith.constant 32 : index
      %get3A_181 = tpu.vector_load %arg8[%get3A_179, %get3A_180] {strides = array<i32>} : memref<40x128xf32, #tpu.memory_space<vmem>>, vector<1x16xf32>,
      %get3A_182 = vector.shape_cast %get3A_181 : vector<1x16xf32> to vector<16xf32>
      %get3A_183 = arith.index_cast %scan3A_151 : i32 to index
      %get3A_184 = arith.constant 32 : index
      %get3A_185 = tpu.vector_load %arg10[%get3A_183, %get3A_184] {strides = array<i32>} : memref<40x128xf32, #tpu.memory_space<vmem>>, vector<1x16xf32>,
      %get3A_186 = vector.shape_cast %get3A_185 : vector<1x16xf32> to vector<16xf32>
      %mul3A_187 = arith.mulf %get3A_182, %get3A_186 : vector<16xf32>
      %swap3A_188 = arith.index_cast %scan3A_151 : i32 to index
      %swap3A_189 = arith.constant 32 : index
      %swap3A_190 = tpu.vector_load %arg12[%swap3A_188, %swap3A_189] {strides = array<i32>} : memref<40x128xf32, #tpu.memory_space<vmem>>, vector<1x16xf32>,
      %swap3A_191 = vector.shape_cast %swap3A_190 : vector<1x16xf32> to vector<16xf32>
      %swap3A_192 = vector.shape_cast %mul3A_187 : vector<16xf32> to vector<1x16xf32>
      tpu.vector_store %arg12[%swap3A_188, %swap3A_189], %swap3A_192 {strides = array<i32>} : memref<40x128xf32, #tpu.memory_space<vmem>>, vector<1x16xf32>,
      %get3A_193 = arith.index_cast %scan3A_151 : i32 to index
      %get3A_194 = arith.constant 48 : index
      %get3A_195 = tpu.vector_load %arg8[%get3A_193, %get3A_194] {strides = array<i32>} : memref<40x128xf32, #tpu.memory_space<vmem>>, vector<1x16xf32>,
      %get3A_196 = vector.shape_cast %get3A_195 : vector<1x16xf32> to vector<16xf32>
      %get3A_197 = arith.index_cast %scan3A_151 : i32 to index
      %get3A_198 = arith.constant 48 : index
      %get3A_199 = tpu.vector_load %arg10[%get3A_197, %get3A_198] {strides = array<i32>} : memref<40x128xf32, #tpu.memory_space<vmem>>, vector<1x16xf32>,
      %get3A_200 = vector.shape_cast %get3A_199 : vector<1x16xf32> to vector<16xf32>
      %mul3A_201 = arith.mulf %get3A_196, %get3A_200 : vector<16xf32>
      %swap3A_202 = arith.index_cast %scan3A_151 : i32 to index
      %swap3A_203 = arith.constant 48 : index
      %swap3A_204 = tpu.vector_load %arg12[%swap3A_202, %swap3A_203] {strides = array<i32>} : memref<40x128xf32, #tpu.memory_space<vmem>>, vector<1x16xf32>,
      %swap3A_205 = vector.shape_cast %swap3A_204 : vector<1x16xf32> to vector<16xf32>
      %swap3A_206 = vector.shape_cast %mul3A_201 : vector<16xf32> to vector<1x16xf32>
      tpu.vector_store %arg12[%swap3A_202, %swap3A_203], %swap3A_206 {strides = array<i32>} : memref<40x128xf32, #tpu.memory_space<vmem>>, vector<1x16xf32>,
      %get3A_207 = arith.index_cast %scan3A_151 : i32 to index
      %get3A_208 = arith.constant 64 : index
      %get3A_209 = tpu.vector_load %arg8[%get3A_207, %get3A_208] {strides = array<i32>} : memref<40x128xf32, #tpu.memory_space<vmem>>, vector<1x16xf32>,
      %get3A_210 = vector.shape_cast %get3A_209 : vector<1x16xf32> to vector<16xf32>
      %get3A_211 = arith.index_cast %scan3A_151 : i32 to index
      %get3A_212 = arith.constant 64 : index
      %get3A_213 = tpu.vector_load %arg10[%get3A_211, %get3A_212] {strides = array<i32>} : memref<40x128xf32, #tpu.memory_space<vmem>>, vector<1x16xf32>,
      %get3A_214 = vector.shape_cast %get3A_213 : vector<1x16xf32> to vector<16xf32>
      %mul3A_215 = arith.mulf %get3A_210, %get3A_214 : vector<16xf32>
      %swap3A_216 = arith.index_cast %scan3A_151 : i32 to index
      %swap3A_217 = arith.constant 64 : index
      %swap3A_218 = tpu.vector_load %arg12[%swap3A_216, %swap3A_217] {strides = array<i32>} : memref<40x128xf32, #tpu.memory_space<vmem>>, vector<1x16xf32>,
      %swap3A_219 = vector.shape_cast %swap3A_218 : vector<1x16xf32> to vector<16xf32>
      %swap3A_220 = vector.shape_cast %mul3A_215 : vector<16xf32> to vector<1x16xf32>
      tpu.vector_store %arg12[%swap3A_216, %swap3A_217], %swap3A_220 {strides = array<i32>} : memref<40x128xf32, #tpu.memory_space<vmem>>, vector<1x16xf32>,
      %get3A_221 = arith.index_cast %scan3A_151 : i32 to index
      %get3A_222 = arith.constant 80 : index
      %get3A_223 = tpu.vector_load %arg8[%get3A_221, %get3A_222] {strides = array<i32>} : memref<40x128xf32, #tpu.memory_space<vmem>>, vector<1x16xf32>,
      %get3A_224 = vector.shape_cast %get3A_223 : vector<1x16xf32> to vector<16xf32>
      %get3A_225 = arith.index_cast %scan3A_151 : i32 to index
      %get3A_226 = arith.constant 80 : index
      %get3A_227 = tpu.vector_load %arg10[%get3A_225, %get3A_226] {strides = array<i32>} : memref<40x128xf32, #tpu.memory_space<vmem>>, vector<1x16xf32>,
      %get3A_228 = vector.shape_cast %get3A_227 : vector<1x16xf32> to vector<16xf32>
      %mul3A_229 = arith.mulf %get3A_224, %get3A_228 : vector<16xf32>
      %swap3A_230 = arith.index_cast %scan3A_151 : i32 to index
      %swap3A_231 = arith.constant 80 : index
      %swap3A_232 = tpu.vector_load %arg12[%swap3A_230, %swap3A_231] {strides = array<i32>} : memref<40x128xf32, #tpu.memory_space<vmem>>, vector<1x16xf32>,
      %swap3A_233 = vector.shape_cast %swap3A_232 : vector<1x16xf32> to vector<16xf32>
      %swap3A_234 = vector.shape_cast %mul3A_229 : vector<16xf32> to vector<1x16xf32>
      tpu.vector_store %arg12[%swap3A_230, %swap3A_231], %swap3A_234 {strides = array<i32>} : memref<40x128xf32, #tpu.memory_space<vmem>>, vector<1x16xf32>,
      %get3A_235 = arith.index_cast %scan3A_151 : i32 to index
      %get3A_236 = arith.constant 96 : index
      %get3A_237 = tpu.vector_load %arg8[%get3A_235, %get3A_236] {strides = array<i32>} : memref<40x128xf32, #tpu.memory_space<vmem>>, vector<1x16xf32>,
      %get3A_238 = vector.shape_cast %get3A_237 : vector<1x16xf32> to vector<16xf32>
      %get3A_239 = arith.index_cast %scan3A_151 : i32 to index
      %get3A_240 = arith.constant 96 : index
      %get3A_241 = tpu.vector_load %arg10[%get3A_239, %get3A_240] {strides = array<i32>} : memref<40x128xf32, #tpu.memory_space<vmem>>, vector<1x16xf32>,
      %get3A_242 = vector.shape_cast %get3A_241 : vector<1x16xf32> to vector<16xf32>
      %mul3A_243 = arith.mulf %get3A_238, %get3A_242 : vector<16xf32>
      %swap3A_244 = arith.index_cast %scan3A_151 : i32 to index
      %swap3A_245 = arith.constant 96 : index
      %swap3A_246 = tpu.vector_load %arg12[%swap3A_244, %swap3A_245] {strides = array<i32>} : memref<40x128xf32, #tpu.memory_space<vmem>>, vector<1x16xf32>,
      %swap3A_247 = vector.shape_cast %swap3A_246 : vector<1x16xf32> to vector<16xf32>
      %swap3A_248 = vector.shape_cast %mul3A_243 : vector<16xf32> to vector<1x16xf32>
      tpu.vector_store %arg12[%swap3A_244, %swap3A_245], %swap3A_248 {strides = array<i32>} : memref<40x128xf32, #tpu.memory_space<vmem>>, vector<1x16xf32>,
      %get3A_249 = arith.index_cast %scan3A_151 : i32 to index
      %get3A_250 = arith.constant 112 : index
      %get3A_251 = tpu.vector_load %arg8[%get3A_249, %get3A_250] {strides = array<i32>} : memref<40x128xf32, #tpu.memory_space<vmem>>, vector<1x16xf32>,
      %get3A_252 = vector.shape_cast %get3A_251 : vector<1x16xf32> to vector<16xf32>
      %get3A_253 = arith.index_cast %scan3A_151 : i32 to index
      %get3A_254 = arith.constant 112 : index
      %get3A_255 = tpu.vector_load %arg10[%get3A_253, %get3A_254] {strides = array<i32>} : memref<40x128xf32, #tpu.memory_space<vmem>>, vector<1x16xf32>,
      %get3A_256 = vector.shape_cast %get3A_255 : vector<1x16xf32> to vector<16xf32>
      %mul3A_257 = arith.mulf %get3A_252, %get3A_256 : vector<16xf32>
      %swap3A_258 = arith.index_cast %scan3A_151 : i32 to index
      %swap3A_259 = arith.constant 112 : index
      %swap3A_260 = tpu.vector_load %arg12[%swap3A_258, %swap3A_259] {strides = array<i32>} : memref<40x128xf32, #tpu.memory_space<vmem>>, vector<1x16xf32>,
      %swap3A_261 = vector.shape_cast %swap3A_260 : vector<1x16xf32> to vector<16xf32>
      %swap3A_262 = vector.shape_cast %mul3A_257 : vector<16xf32> to vector<1x16xf32>
      tpu.vector_store %arg12[%swap3A_258, %swap3A_259], %swap3A_262 {strides = array<i32>} : memref<40x128xf32, #tpu.memory_space<vmem>>, vector<1x16xf32>,
    }
    %scan3A_99 = arith.constant 40 : i32
    %dma_start3A_100 = arith.constant 4 : i32
    %dma_start3A_101 = arith.constant 0 : i32
    %dma_start3A_102 = tpu.memref_slice %arg6[%dma_start3A_100, %dma_start3A_101] : memref<6x40xi32, #tpu.memory_space<vmem>> -> memref<1x40xi32, #tpu.memory_space<vmem>>
    %dma_start3A_103 = tpu.memref_squeeze %dma_start3A_102 : memref<1x40xi32, #tpu.memory_space<vmem>> -> memref<40xi32, #tpu.memory_space<vmem>>
    %dma_start3A_104 = arith.constant 0 : i32
    %dma_start3A_105 = arith.constant 0 : i32
    %dma_start3A_106 = tpu.memref_slice %arg15[%dma_start3A_104, %dma_start3A_105] : memref<10112x128xf32, #tpu.memory_space<vmem_shared>> -> memref<10112x128xf32, #tpu.memory_space<vmem_shared>>
    tpu.enqueue_indirect_dma source(%arg12 : memref<40x128xf32, #tpu.memory_space<vmem>>) target(%dma_start3A_106 : memref<10112x128xf32, #tpu.memory_space<vmem_shared>>) offsets(%dma_start3A_103 : memref<40xi32, #tpu.memory_space<vmem>>) semaphore(%arg20 : memref<!tpu.dma_semaphore, #tpu.memory_space<semaphore_mem>>) {add = true}
    %dma_wait3A_107 = arith.constant 0 : i32
    %dma_wait3A_108 = arith.constant 0 : i32
    %dma_wait3A_109 = tpu.memref_slice %arg2[%dma_wait3A_107, %dma_wait3A_108] : memref<320000x128xf32, #tpu.memory_space<hbm>> -> memref<40x128xf32, #tpu.memory_space<hbm>>
    %dma_wait3A_110 = arith.constant 0 : i32
    %dma_wait3A_111 = arith.constant 0 : i32
    %dma_wait3A_112 = tpu.memref_slice %arg2[%dma_wait3A_110, %dma_wait3A_111] : memref<320000x128xf32, #tpu.memory_space<hbm>> -> memref<40x128xf32, #tpu.memory_space<hbm>>
    tpu.wait_dma2 semaphore(%arg17 : memref<!tpu.dma_semaphore, #tpu.memory_space<semaphore_mem>>) src(%dma_wait3A_112 : memref<40x128xf32, #tpu.memory_space<hbm>>) dst(%arg9 : memref<40x128xf32, #tpu.memory_space<vmem>>)
    %dma_wait3A_113 = arith.constant 0 : i32
    %dma_wait3A_114 = arith.constant 0 : i32
    %dma_wait3A_115 = tpu.memref_slice %arg3[%dma_wait3A_113, %dma_wait3A_114] : memref<10000x128xf32, #tpu.memory_space<hbm>> -> memref<40x128xf32, #tpu.memory_space<hbm>>
    %dma_wait3A_116 = arith.constant 0 : i32
    %dma_wait3A_117 = arith.constant 0 : i32
    %dma_wait3A_118 = tpu.memref_slice %arg3[%dma_wait3A_116, %dma_wait3A_117] : memref<10000x128xf32, #tpu.memory_space<hbm>> -> memref<40x128xf32, #tpu.memory_space<hbm>>
    tpu.wait_dma2 semaphore(%arg19 : memref<!tpu.dma_semaphore, #tpu.memory_space<semaphore_mem>>) src(%dma_wait3A_118 : memref<40x128xf32, #tpu.memory_space<hbm>>) dst(%arg11 : memref<40x128xf32, #tpu.memory_space<vmem>>)
    %dma_wait3A_119 = arith.constant 0 : i32
    %dma_wait3A_120 = arith.constant 0 : i32
    %dma_wait3A_121 = tpu.memref_slice %arg2[%dma_wait3A_119, %dma_wait3A_120] : memref<320000x128xf32, #tpu.memory_space<hbm>> -> memref<40x128xf32, #tpu.memory_space<hbm>>
    %dma_wait3A_122 = arith.constant 0 : i32
    %dma_wait3A_123 = arith.constant 0 : i32
    %dma_wait3A_124 = tpu.memref_slice %arg2[%dma_wait3A_122, %dma_wait3A_123] : memref<320000x128xf32, #tpu.memory_space<hbm>> -> memref<40x128xf32, #tpu.memory_space<hbm>>
    tpu.wait_dma2 semaphore(%arg21 : memref<!tpu.dma_semaphore, #tpu.memory_space<semaphore_mem>>) src(%dma_wait3A_124 : memref<40x128xf32, #tpu.memory_space<hbm>>) dst(%arg13 : memref<40x128xf32, #tpu.memory_space<vmem>>)
    %scan3A_125 = arith.constant 0 : i32
    %scan3A_126 = arith.constant 0 : i32
    %scan3A_127 = arith.constant 40 : i32
    %scan3A_128 = arith.addi %scan3A_126, %scan3A_127 : i32
    %scan3A_129 = arith.constant 1 : i32
    scf.for %scan3A_151 = %scan3A_126 to %scan3A_128 step %scan3A_129  : i32 {
      %get3A = arith.index_cast %scan3A_151 : i32 to index
      %get3A_152 = arith.constant 0 : index
      %get3A_153 = tpu.vector_load %arg9[%get3A, %get3A_152] {strides = array<i32>} : memref<40x128xf32, #tpu.memory_space<vmem>>, vector<1x16xf32>,
      %get3A_154 = vector.shape_cast %get3A_153 : vector<1x16xf32> to vector<16xf32>
      %get3A_155 = arith.index_cast %scan3A_151 : i32 to index
      %get3A_156 = arith.constant 0 : index
      %get3A_157 = tpu.vector_load %arg11[%get3A_155, %get3A_156] {strides = array<i32>} : memref<40x128xf32, #tpu.memory_space<vmem>>, vector<1x16xf32>,
      %get3A_158 = vector.shape_cast %get3A_157 : vector<1x16xf32> to vector<16xf32>
      %mul3A_159 = arith.mulf %get3A_154, %get3A_158 : vector<16xf32>
      %swap3A_160 = arith.index_cast %scan3A_151 : i32 to index
      %swap3A_161 = arith.constant 0 : index
      %swap3A_162 = tpu.vector_load %arg13[%swap3A_160, %swap3A_161] {strides = array<i32>} : memref<40x128xf32, #tpu.memory_space<vmem>>, vector<1x16xf32>,
      %swap3A_163 = vector.shape_cast %swap3A_162 : vector<1x16xf32> to vector<16xf32>
      %swap3A_164 = vector.shape_cast %mul3A_159 : vector<16xf32> to vector<1x16xf32>
      tpu.vector_store %arg13[%swap3A_160, %swap3A_161], %swap3A_164 {strides = array<i32>} : memref<40x128xf32, #tpu.memory_space<vmem>>, vector<1x16xf32>,
      %get3A_165 = arith.index_cast %scan3A_151 : i32 to index
      %get3A_166 = arith.constant 16 : index
      %get3A_167 = tpu.vector_load %arg9[%get3A_165, %get3A_166] {strides = array<i32>} : memref<40x128xf32, #tpu.memory_space<vmem>>, vector<1x16xf32>,
      %get3A_168 = vector.shape_cast %get3A_167 : vector<1x16xf32> to vector<16xf32>
      %get3A_169 = arith.index_cast %scan3A_151 : i32 to index
      %get3A_170 = arith.constant 16 : index
      %get3A_171 = tpu.vector_load %arg11[%get3A_169, %get3A_170] {strides = array<i32>} : memref<40x128xf32, #tpu.memory_space<vmem>>, vector<1x16xf32>,
      %get3A_172 = vector.shape_cast %get3A_171 : vector<1x16xf32> to vector<16xf32>
      %mul3A_173 = arith.mulf %get3A_168, %get3A_172 : vector<16xf32>
      %swap3A_174 = arith.index_cast %scan3A_151 : i32 to index
      %swap3A_175 = arith.constant 16 : index
      %swap3A_176 = tpu.vector_load %arg13[%swap3A_174, %swap3A_175] {strides = array<i32>} : memref<40x128xf32, #tpu.memory_space<vmem>>, vector<1x16xf32>,
      %swap3A_177 = vector.shape_cast %swap3A_176 : vector<1x16xf32> to vector<16xf32>
      %swap3A_178 = vector.shape_cast %mul3A_173 : vector<16xf32> to vector<1x16xf32>
      tpu.vector_store %arg13[%swap3A_174, %swap3A_175], %swap3A_178 {strides = array<i32>} : memref<40x128xf32, #tpu.memory_space<vmem>>, vector<1x16xf32>,
      %get3A_179 = arith.index_cast %scan3A_151 : i32 to index
      %get3A_180 = arith.constant 32 : index
      %get3A_181 = tpu.vector_load %arg9[%get3A_179, %get3A_180] {strides = array<i32>} : memref<40x128xf32, #tpu.memory_space<vmem>>, vector<1x16xf32>,
      %get3A_182 = vector.shape_cast %get3A_181 : vector<1x16xf32> to vector<16xf32>
      %get3A_183 = arith.index_cast %scan3A_151 : i32 to index
      %get3A_184 = arith.constant 32 : index
      %get3A_185 = tpu.vector_load %arg11[%get3A_183, %get3A_184] {strides = array<i32>} : memref<40x128xf32, #tpu.memory_space<vmem>>, vector<1x16xf32>,
      %get3A_186 = vector.shape_cast %get3A_185 : vector<1x16xf32> to vector<16xf32>
      %mul3A_187 = arith.mulf %get3A_182, %get3A_186 : vector<16xf32>
      %swap3A_188 = arith.index_cast %scan3A_151 : i32 to index
      %swap3A_189 = arith.constant 32 : index
      %swap3A_190 = tpu.vector_load %arg13[%swap3A_188, %swap3A_189] {strides = array<i32>} : memref<40x128xf32, #tpu.memory_space<vmem>>, vector<1x16xf32>,
      %swap3A_191 = vector.shape_cast %swap3A_190 : vector<1x16xf32> to vector<16xf32>
      %swap3A_192 = vector.shape_cast %mul3A_187 : vector<16xf32> to vector<1x16xf32>
      tpu.vector_store %arg13[%swap3A_188, %swap3A_189], %swap3A_192 {strides = array<i32>} : memref<40x128xf32, #tpu.memory_space<vmem>>, vector<1x16xf32>,
      %get3A_193 = arith.index_cast %scan3A_151 : i32 to index
      %get3A_194 = arith.constant 48 : index
      %get3A_195 = tpu.vector_load %arg9[%get3A_193, %get3A_194] {strides = array<i32>} : memref<40x128xf32, #tpu.memory_space<vmem>>, vector<1x16xf32>,
      %get3A_196 = vector.shape_cast %get3A_195 : vector<1x16xf32> to vector<16xf32>
      %get3A_197 = arith.index_cast %scan3A_151 : i32 to index
      %get3A_198 = arith.constant 48 : index
      %get3A_199 = tpu.vector_load %arg11[%get3A_197, %get3A_198] {strides = array<i32>} : memref<40x128xf32, #tpu.memory_space<vmem>>, vector<1x16xf32>,
      %get3A_200 = vector.shape_cast %get3A_199 : vector<1x16xf32> to vector<16xf32>
      %mul3A_201 = arith.mulf %get3A_196, %get3A_200 : vector<16xf32>
      %swap3A_202 = arith.index_cast %scan3A_151 : i32 to index
      %swap3A_203 = arith.constant 48 : index
      %swap3A_204 = tpu.vector_load %arg13[%swap3A_202, %swap3A_203] {strides = array<i32>} : memref<40x128xf32, #tpu.memory_space<vmem>>, vector<1x16xf32>,
      %swap3A_205 = vector.shape_cast %swap3A_204 : vector<1x16xf32> to vector<16xf32>
      %swap3A_206 = vector.shape_cast %mul3A_201 : vector<16xf32> to vector<1x16xf32>
      tpu.vector_store %arg13[%swap3A_202, %swap3A_203], %swap3A_206 {strides = array<i32>} : memref<40x128xf32, #tpu.memory_space<vmem>>, vector<1x16xf32>,
      %get3A_207 = arith.index_cast %scan3A_151 : i32 to index
      %get3A_208 = arith.constant 64 : index
      %get3A_209 = tpu.vector_load %arg9[%get3A_207, %get3A_208] {strides = array<i32>} : memref<40x128xf32, #tpu.memory_space<vmem>>, vector<1x16xf32>,
      %get3A_210 = vector.shape_cast %get3A_209 : vector<1x16xf32> to vector<16xf32>
      %get3A_211 = arith.index_cast %scan3A_151 : i32 to index
      %get3A_212 = arith.constant 64 : index
      %get3A_213 = tpu.vector_load %arg11[%get3A_211, %get3A_212] {strides = array<i32>} : memref<40x128xf32, #tpu.memory_space<vmem>>, vector<1x16xf32>,
      %get3A_214 = vector.shape_cast %get3A_213 : vector<1x16xf32> to vector<16xf32>
      %mul3A_215 = arith.mulf %get3A_210, %get3A_214 : vector<16xf32>
      %swap3A_216 = arith.index_cast %scan3A_151 : i32 to index
      %swap3A_217 = arith.constant 64 : index
      %swap3A_218 = tpu.vector_load %arg13[%swap3A_216, %swap3A_217] {strides = array<i32>} : memref<40x128xf32, #tpu.memory_space<vmem>>, vector<1x16xf32>,
      %swap3A_219 = vector.shape_cast %swap3A_218 : vector<1x16xf32> to vector<16xf32>
      %swap3A_220 = vector.shape_cast %mul3A_215 : vector<16xf32> to vector<1x16xf32>
      tpu.vector_store %arg13[%swap3A_216, %swap3A_217], %swap3A_220 {strides = array<i32>} : memref<40x128xf32, #tpu.memory_space<vmem>>, vector<1x16xf32>,
      %get3A_221 = arith.index_cast %scan3A_151 : i32 to index
      %get3A_222 = arith.constant 80 : index
      %get3A_223 = tpu.vector_load %arg9[%get3A_221, %get3A_222] {strides = array<i32>} : memref<40x128xf32, #tpu.memory_space<vmem>>, vector<1x16xf32>,
      %get3A_224 = vector.shape_cast %get3A_223 : vector<1x16xf32> to vector<16xf32>
      %get3A_225 = arith.index_cast %scan3A_151 : i32 to index
      %get3A_226 = arith.constant 80 : index
      %get3A_227 = tpu.vector_load %arg11[%get3A_225, %get3A_226] {strides = array<i32>} : memref<40x128xf32, #tpu.memory_space<vmem>>, vector<1x16xf32>,
      %get3A_228 = vector.shape_cast %get3A_227 : vector<1x16xf32> to vector<16xf32>
      %mul3A_229 = arith.mulf %get3A_224, %get3A_228 : vector<16xf32>
      %swap3A_230 = arith.index_cast %scan3A_151 : i32 to index
      %swap3A_231 = arith.constant 80 : index
      %swap3A_232 = tpu.vector_load %arg13[%swap3A_230, %swap3A_231] {strides = array<i32>} : memref<40x128xf32, #tpu.memory_space<vmem>>, vector<1x16xf32>,
      %swap3A_233 = vector.shape_cast %swap3A_232 : vector<1x16xf32> to vector<16xf32>
      %swap3A_234 = vector.shape_cast %mul3A_229 : vector<16xf32> to vector<1x16xf32>
      tpu.vector_store %arg13[%swap3A_230, %swap3A_231], %swap3A_234 {strides = array<i32>} : memref<40x128xf32, #tpu.memory_space<vmem>>, vector<1x16xf32>,
      %get3A_235 = arith.index_cast %scan3A_151 : i32 to index
      %get3A_236 = arith.constant 96 : index
      %get3A_237 = tpu.vector_load %arg9[%get3A_235, %get3A_236] {strides = array<i32>} : memref<40x128xf32, #tpu.memory_space<vmem>>, vector<1x16xf32>,
      %get3A_238 = vector.shape_cast %get3A_237 : vector<1x16xf32> to vector<16xf32>
      %get3A_239 = arith.index_cast %scan3A_151 : i32 to index
      %get3A_240 = arith.constant 96 : index
      %get3A_241 = tpu.vector_load %arg11[%get3A_239, %get3A_240] {strides = array<i32>} : memref<40x128xf32, #tpu.memory_space<vmem>>, vector<1x16xf32>,
      %get3A_242 = vector.shape_cast %get3A_241 : vector<1x16xf32> to vector<16xf32>
      %mul3A_243 = arith.mulf %get3A_238, %get3A_242 : vector<16xf32>
      %swap3A_244 = arith.index_cast %scan3A_151 : i32 to index
      %swap3A_245 = arith.constant 96 : index
      %swap3A_246 = tpu.vector_load %arg13[%swap3A_244, %swap3A_245] {strides = array<i32>} : memref<40x128xf32, #tpu.memory_space<vmem>>, vector<1x16xf32>,
      %swap3A_247 = vector.shape_cast %swap3A_246 : vector<1x16xf32> to vector<16xf32>
      %swap3A_248 = vector.shape_cast %mul3A_243 : vector<16xf32> to vector<1x16xf32>
      tpu.vector_store %arg13[%swap3A_244, %swap3A_245], %swap3A_248 {strides = array<i32>} : memref<40x128xf32, #tpu.memory_space<vmem>>, vector<1x16xf32>,
      %get3A_249 = arith.index_cast %scan3A_151 : i32 to index
      %get3A_250 = arith.constant 112 : index
      %get3A_251 = tpu.vector_load %arg9[%get3A_249, %get3A_250] {strides = array<i32>} : memref<40x128xf32, #tpu.memory_space<vmem>>, vector<1x16xf32>,
      %get3A_252 = vector.shape_cast %get3A_251 : vector<1x16xf32> to vector<16xf32>
      %get3A_253 = arith.index_cast %scan3A_151 : i32 to index
      %get3A_254 = arith.constant 112 : index
      %get3A_255 = tpu.vector_load %arg11[%get3A_253, %get3A_254] {strides = array<i32>} : memref<40x128xf32, #tpu.memory_space<vmem>>, vector<1x16xf32>,
      %get3A_256 = vector.shape_cast %get3A_255 : vector<1x16xf32> to vector<16xf32>
      %mul3A_257 = arith.mulf %get3A_252, %get3A_256 : vector<16xf32>
      %swap3A_258 = arith.index_cast %scan3A_151 : i32 to index
      %swap3A_259 = arith.constant 112 : index
      %swap3A_260 = tpu.vector_load %arg13[%swap3A_258, %swap3A_259] {strides = array<i32>} : memref<40x128xf32, #tpu.memory_space<vmem>>, vector<1x16xf32>,
      %swap3A_261 = vector.shape_cast %swap3A_260 : vector<1x16xf32> to vector<16xf32>
      %swap3A_262 = vector.shape_cast %mul3A_257 : vector<16xf32> to vector<1x16xf32>
      tpu.vector_store %arg13[%swap3A_258, %swap3A_259], %swap3A_262 {strides = array<i32>} : memref<40x128xf32, #tpu.memory_space<vmem>>, vector<1x16xf32>,
    }
    %scan3A_130 = arith.constant 40 : i32
    %dma_start3A_131 = arith.constant 5 : i32
    %dma_start3A_132 = arith.constant 0 : i32
    %dma_start3A_133 = tpu.memref_slice %arg6[%dma_start3A_131, %dma_start3A_132] : memref<6x40xi32, #tpu.memory_space<vmem>> -> memref<1x40xi32, #tpu.memory_space<vmem>>
    %dma_start3A_134 = tpu.memref_squeeze %dma_start3A_133 : memref<1x40xi32, #tpu.memory_space<vmem>> -> memref<40xi32, #tpu.memory_space<vmem>>
    %dma_start3A_135 = arith.constant 0 : i32
    %dma_start3A_136 = arith.constant 0 : i32
    %dma_start3A_137 = tpu.memref_slice %arg15[%dma_start3A_135, %dma_start3A_136] : memref<10112x128xf32, #tpu.memory_space<vmem_shared>> -> memref<10112x128xf32, #tpu.memory_space<vmem_shared>>
    tpu.enqueue_indirect_dma source(%arg13 : memref<40x128xf32, #tpu.memory_space<vmem>>) target(%dma_start3A_137 : memref<10112x128xf32, #tpu.memory_space<vmem_shared>>) offsets(%dma_start3A_134 : memref<40xi32, #tpu.memory_space<vmem>>) semaphore(%arg21 : memref<!tpu.dma_semaphore, #tpu.memory_space<semaphore_mem>>) {add = true}
    %dma_wait3A_138 = arith.constant 0 : i32
    %dma_wait3A_139 = arith.constant 0 : i32
    %dma_wait3A_140 = tpu.memref_slice %arg2[%dma_wait3A_138, %dma_wait3A_139] : memref<320000x128xf32, #tpu.memory_space<hbm>> -> memref<40x128xf32, #tpu.memory_space<hbm>>
    %dma_wait3A_141 = arith.constant 0 : i32
    %dma_wait3A_142 = arith.constant 0 : i32
    %dma_wait3A_143 = tpu.memref_slice %arg2[%dma_wait3A_141, %dma_wait3A_142] : memref<320000x128xf32, #tpu.memory_space<hbm>> -> memref<40x128xf32, #tpu.memory_space<hbm>>
    tpu.wait_dma2 semaphore(%arg20 : memref<!tpu.dma_semaphore, #tpu.memory_space<semaphore_mem>>) src(%dma_wait3A_143 : memref<40x128xf32, #tpu.memory_space<hbm>>) dst(%arg12 : memref<40x128xf32, #tpu.memory_space<vmem>>)
    %dma_wait3A_144 = arith.constant 0 : i32
    %dma_wait3A_145 = arith.constant 0 : i32
    %dma_wait3A_146 = tpu.memref_slice %arg2[%dma_wait3A_144, %dma_wait3A_145] : memref<320000x128xf32, #tpu.memory_space<hbm>> -> memref<40x128xf32, #tpu.memory_space<hbm>>
    %dma_wait3A_147 = arith.constant 0 : i32
    %dma_wait3A_148 = arith.constant 0 : i32
    %dma_wait3A_149 = tpu.memref_slice %arg2[%dma_wait3A_147, %dma_wait3A_148] : memref<320000x128xf32, #tpu.memory_space<hbm>> -> memref<40x128xf32, #tpu.memory_space<hbm>>
    tpu.wait_dma2 semaphore(%arg21 : memref<!tpu.dma_semaphore, #tpu.memory_space<semaphore_mem>>) src(%dma_wait3A_149 : memref<40x128xf32, #tpu.memory_space<hbm>>) dst(%arg13 : memref<40x128xf32, #tpu.memory_space<vmem>>)
    %barrier3A_150 = arith.constant 0 : index
    tpu.barrier barrier_id(%barrier3A_150)
    "tpu.region"() ({
      %run_scoped3A_151 = tpu.sem_alloc : memref<!tpu.dma_semaphore, #tpu.memory_space<semaphore_mem>>
      %dma_start3A_152 = arith.constant 0 : i32
      %dma_start3A_153 = tpu.memref_slice %arg5[%arg0, %mul3A_33, %dma_start3A_152] : memref<2x10112x128xf32, #tpu.memory_space<hbm>> -> memref<1x632x128xf32, #tpu.memory_space<hbm>>
      %dma_start3A_154 = tpu.memref_squeeze %dma_start3A_153 : memref<1x632x128xf32, #tpu.memory_space<hbm>> -> memref<632x128xf32, #tpu.memory_space<hbm>>
      %dma_start3A_155 = arith.constant 0 : i32
      %dma_start3A_156 = tpu.memref_slice %arg15[%mul3A_33, %dma_start3A_155] : memref<10112x128xf32, #tpu.memory_space<vmem_shared>> -> memref<632x128xf32, #tpu.memory_space<vmem_shared>>
      tpu.enqueue_dma source(%dma_start3A_156 : memref<632x128xf32, #tpu.memory_space<vmem_shared>>) target(%dma_start3A_154 : memref<632x128xf32, #tpu.memory_space<hbm>>) target_semaphore(%run_scoped3A_151 : memref<!tpu.dma_semaphore, #tpu.memory_space<semaphore_mem>>)
      %dma_wait3A_157 = arith.constant 0 : i32
      %dma_wait3A_158 = tpu.memref_slice %arg5[%arg0, %mul3A_33, %dma_wait3A_157] : memref<2x10112x128xf32, #tpu.memory_space<hbm>> -> memref<1x632x128xf32, #tpu.memory_space<hbm>>
      %dma_wait3A_159 = tpu.memref_squeeze %dma_wait3A_158 : memref<1x632x128xf32, #tpu.memory_space<hbm>> -> memref<632x128xf32, #tpu.memory_space<hbm>>
      %dma_wait3A_160 = arith.constant 0 : i32
      %dma_wait3A_161 = tpu.memref_slice %arg15[%mul3A_33, %dma_wait3A_160] : memref<10112x128xf32, #tpu.memory_space<vmem_shared>> -> memref<632x128xf32, #tpu.memory_space<vmem_shared>>
      tpu.wait_dma2 semaphore(%run_scoped3A_151 : memref<!tpu.dma_semaphore, #tpu.memory_space<semaphore_mem>>) src(%dma_wait3A_161 : memref<632x128xf32, #tpu.memory_space<vmem_shared>>) dst(%dma_wait3A_159 : memref<632x128xf32, #tpu.memory_space<hbm>>)
      tpu.yield
    }) : () -> ()
    return
  }
}

module attributes {stable_mosaic.version = 14 : i64} {
  func.func @body(%arg0: i32, %arg1: memref<2x1000x128xf32, #tpu.memory_space<vmem>>, %arg2: memref<1000x128xf32, #tpu.memory_space<vmem>>, %arg3: memref<128x128xf32, #tpu.memory_space<vmem>>, %arg4: memref<1x128xf32, #tpu.memory_space<vmem>>, %arg5: memref<1000x128xf32, #tpu.memory_space<vmem>>) attributes {dimension_semantics = [#tpu.dimension_semantics<arbitrary>], iteration_bounds = array<i64: 10>, scalar_prefetch = 0 : i64, scratch_operands = 0 : i64, tpu.core_type = #tpu.core_type<tc>, window_params = [{transform_indices = @transform_0, window_bounds = array<i64: 2, 1000, 128>}, {transform_indices = @transform_1, window_bounds = array<i64: 1000, 128>}, {pipeline_mode = #tpu.pipeline_mode<synchronous>, transform_indices = @transform_2, window_bounds = array<i64: 128, 128>}, {pipeline_mode = #tpu.pipeline_mode<synchronous>, transform_indices = @transform_3, window_bounds = array<i64: 1, 128>}, {transform_indices = @transform_4, window_bounds = array<i64: 1000, 128>}]} {
    %get3A = arith.constant 0 : index
    %get3A_0 = arith.constant 0 : index
    %get3A_1 = arith.constant 0 : index
    %get3A_2 = vector.load %arg1[%get3A, %get3A_0, %get3A_1] : memref<2x1000x128xf32, #tpu.memory_space<vmem>>, vector<1x1000x128xf32>
    %get3A_3 = vector.shape_cast %get3A_2 : vector<1x1000x128xf32> to vector<1000x128xf32>
    %get3A_4 = arith.constant 1 : index
    %get3A_5 = arith.constant 0 : index
    %get3A_6 = arith.constant 0 : index
    %get3A_7 = vector.load %arg1[%get3A_4, %get3A_5, %get3A_6] : memref<2x1000x128xf32, #tpu.memory_space<vmem>>, vector<1x1000x128xf32>
    %get3A_8 = vector.shape_cast %get3A_7 : vector<1x1000x128xf32> to vector<1000x128xf32>
    %add3A = arith.addf %get3A_3, %get3A_8 : vector<1000x128xf32>
    %get3A_9 = arith.constant 0 : index
    %get3A_10 = arith.constant 0 : index
    %get3A_11 = vector.load %arg3[%get3A_9, %get3A_10] : memref<128x128xf32, #tpu.memory_space<vmem>>, vector<128x128xf32>
    %dot_general3A = arith.constant dense<0.000000e+00> : vector<1000x128xf32>
    %dot_general3A_12 = tpu.matmul %add3A, %get3A_11, %dot_general3A {dimension_numbers = #tpu.dot_dimension_numbers<[1], [0], [0], [1], [0, 0, 1, 1], [], []>, transpose_lhs_hint = false} : vector<1000x128xf32>, vector<128x128xf32>, vector<1000x128xf32> -> vector<1000x128xf32>
    %get3A_13 = arith.constant 0 : index
    %get3A_14 = arith.constant 0 : index
    %get3A_15 = vector.load %arg4[%get3A_13, %get3A_14] : memref<1x128xf32, #tpu.memory_space<vmem>>, vector<1x128xf32>
    %add3A_16 = vector.broadcast %get3A_15 : vector<1x128xf32> to vector<1000x128xf32>
    %add3A_17 = arith.addf %dot_general3A_12, %add3A_16 : vector<1000x128xf32>
    %max3A = arith.constant 0.000000e+00 : f32
    %max3A_18 = vector.broadcast %max3A : f32 to vector<1000x128xf32>
    %max3A_19 = arith.maximumf %add3A_17, %max3A_18 : vector<1000x128xf32>
    %get3A_20 = arith.constant 0 : index
    %get3A_21 = arith.constant 0 : index
    %get3A_22 = vector.load %arg2[%get3A_20, %get3A_21] : memref<1000x128xf32, #tpu.memory_space<vmem>>, vector<1000x128xf32>
    %add3A_23 = arith.addf %max3A_19, %get3A_22 : vector<1000x128xf32>
    %swap3A = arith.constant 0 : index
    %swap3A_24 = arith.constant 0 : index
    %swap3A_25 = vector.load %arg5[%swap3A, %swap3A_24] : memref<1000x128xf32, #tpu.memory_space<vmem>>, vector<1000x128xf32>
    tpu.vector_store %arg5[%swap3A, %swap3A_24], %add3A_23 {strides = array<i32>} : memref<1000x128xf32, #tpu.memory_space<vmem>>, vector<1000x128xf32>,
    return
  }
  func.func @transform_0(%arg0: i32) -> (i32, i32, i32) {
    %c0_i32 = arith.constant 0 : i32
    %c0_i32_0 = arith.constant 0 : i32
    %c0_i32_1 = arith.constant 0 : i32
    return %c0_i32, %arg0, %c0_i32_0 : i32, i32, i32
  }
  func.func @transform_1(%arg0: i32) -> (i32, i32) {
    %c0_i32 = arith.constant 0 : i32
    %c0_i32_0 = arith.constant 0 : i32
    return %arg0, %c0_i32 : i32, i32
  }
  func.func @transform_2(%arg0: i32) -> (i32, i32) {
    %c0_i32 = arith.constant 0 : i32
    %c0_i32_0 = arith.constant 0 : i32
    %c0_i32_1 = arith.constant 0 : i32
    return %c0_i32, %c0_i32_0 : i32, i32
  }
  func.func @transform_3(%arg0: i32) -> (i32, i32) {
    %c0_i32 = arith.constant 0 : i32
    %c0_i32_0 = arith.constant 0 : i32
    %c0_i32_1 = arith.constant 0 : i32
    return %c0_i32, %c0_i32_0 : i32, i32
  }
  func.func @transform_4(%arg0: i32) -> (i32, i32) {
    %c0_i32 = arith.constant 0 : i32
    %c0_i32_0 = arith.constant 0 : i32
    return %arg0, %c0_i32 : i32, i32
  }
}

</mosaic_0001>

<sc_bundles>
// kernel: kernel.4.cloned.1.call-start
scs
__scs_entry_jumppad:
0x0: {  	(pc) =	sbr.rel $0x88, $3  }
0x1: {  	(tag) =	ssettag $0x0;
	lr =	simm.s32 $0x1  }
0x2: {  	[smem:$0x3F9B] =	sst lr;
	_ =	strace $0xD0000000  }
0x3: {  	_ = 	snop  }
0x4: {  	_ = 	snop  }
0x5: {  	_ = 	snop  }
0x6: {  	_ = 	snop  }
0x7: {  	_ = 	snop  }
__scs_overlays_trampoline_lowered:
0x8: {  	[smem:$0x3FAA] =	sst s0  }
0x9: {  	[smem:$0x3FAB] =	sst s1  }
0xa: {  	[smem:$0x3FAC] =	sst s2  }
0xb: {  	[smem:$0x3FAD] =	sst s3  }
0xc: {  	[smem:$0x3FAE] =	sst s4  }
0xd: {  	[smem:$0x3FAF] =	sst s5  }
0xe: {  	[smem:$0x3FB0] =	sst s6  }
0xf: {  	[smem:$0x3FB1] =	sst s7  }
0x10: {  	[smem:$0x3FB2] =	sst s8  }
0x11: {  	[smem:$0x3FB3] =	sst s9;
	s0 =	simm.s32 @!p0 $0x0  }
0x12: {  	s1 =	sld [smem:$0x3F99];
	s0 =	simm.s32 @p0 $0x1  }
0x13: {  	[smem:$0x3FB4] =	sst s0;
	s0 =	simm.s32 @!p1 $0x0  }
0x14: {  	s2 =	sld [smem:$0x3F98];
	s0 =	simm.s32 @p1 $0x1  }
0x15: {  	[smem:$0x3FB5] =	sst s0;
	s0 =	simm.s32 @!p2 $0x0  }
0x16: {  	s3 =	sld [smem:$0x3FDB];
	s0 =	simm.s32 @p2 $0x1  }
0x17: {  	s4 =	simm.s32 $0x1BF5;
	[smem:$0x3FB7] =	sst s0  }
0x18: {  	s0 =	sld [smem:$0x3F9A];
	_ =	swait.ge [sflag:s4], $0x0  }
0x19: {  	s7 =	sld [smem:$0x3F9B]  }
0x1a: {  	s8 =	sadd.s32 $0xFFFFE003, lr  }
0x1b: {  	s9 =	sadd.s32 $0xFFFFFEF7, lr;
	s5 =	simm.s32 $0xFFFFFFFF;
	p2 =	slt.u32 s8, $0xFFFFF086  }
0x1c: {  	p1 =	slt.u32 s9, $0xF7A;
	s5 =	simm.s32 @!p2 $0x0  }
0x1d: {  	s5 =	simm.s32 @p1 $0x1;
	p0 =	seq.s32 s7, s2  }
0x1e: {  	s7 =	smul.u32 @!p0 $0xF7A, s2;
	p2 =	seq.s32 @!p0 s5, $0x0  }
0x1f: {  	s9 =	smul.u32 $0xF7A, s1;
	s8 =	simm.s32 @!p0 $0x1BF5;
	p2 =	por !p2, p0  }
0x20: {  	[sflag:s8] =	ssyncset.s32 @!p0 $0xFFFFF086;
	s6 =	sadd.s32 @!p0 s3, s7;
	s7 =	simm.s32 @!p0 $0x108  }
0x21: {  	s3 =	sadd.s32 s3, s9;
	s6 =	sadd.s32 @!p0 $0x88, s6;
	s7 =	simm.s32 @p2 $0x1082  }
0x22: {  	[simem:s7], [sflag:s8] =	dma.local @!p0 [hbm:s6], $0xF7A  }
0x23: {  	s9 =	sor.u32 $0xD0000000, s2;
	s6 =	simm.s32 $0x108;
	_ =	swait.ge @!p0 [sflag:s8], $0x0  }
0x24: {  	s3 =	sadd.s32 $0x88, s3;
	s6 =	simm.s32 @!p1 $0x1082;
	[sflag:s4] =	ssyncset.s32 $0xFFFFF086  }
0x25: {  	[simem:s6], [sflag:s4] =	dma.local [hbm:s3], $0xF7A  }
0x26: {  	[smem:$0x3F9B] =	sst s1;
	(tag) =	ssettag s2;
	_ =	strace s9  }
0x27: {  	s1 =	sld [smem:$0x3FAB]  }
0x28: {  	s2 =	sld [smem:$0x3FAC]  }
0x29: {  	s4 =	sld [smem:$0x3FAE]  }
0x2a: {  	p0 =	seq.s32 s5, $0x0;
	s5 =	sld [smem:$0x3FAF]  }
0x2b: {  	s6 =	sld [smem:$0x3FB0]  }
0x2c: {  	s7 =	sld [smem:$0x3FB1]  }
0x2d: {  	s3 =	simm.s32 $0x108;
	s8 =	sld [smem:$0x3FB2]  }
0x2e: {  	s3 =	simm.s32 @!p0 $0x1082;
	s9 =	sld [smem:$0x3FB3]  }
0x2f: {  	lr =	sadd.s32 s0, s3;
	s0 =	sld [smem:$0x3FAA]  }
0x30: {  	s3 =	sld [smem:$0x3FAD]  }
0x31: {  	[smem:$0x3FB6] =	sst s10  }
0x32: {  	s10 =	sld [smem:$0x3FB4];
	_ =	sdelay $0x3  }
0x33: {  	p0 =	seq.s32 s10, $0x1;
	s10 =	sld [smem:$0x3FB6];
	_ =	sdelay $0x3  }
0x34: {  	[smem:$0x3FB6] =	sst s10  }
0x35: {  	s10 =	sld [smem:$0x3FB5];
	_ =	sdelay $0x3  }
0x36: {  	p1 =	seq.s32 s10, $0x1;
	s10 =	sld [smem:$0x3FB6];
	_ =	sdelay $0x3  }
0x37: {  	[smem:$0x3FB6] =	sst s10  }
0x38: {  	s10 =	sld [smem:$0x3FB7]  }
0x39: {  	_ = 	snop;
	(pc) =	sbr.ind lr, $3  }
0x3a: {  	_ = 	snop  }
0x3b: {  	_ = 	snop  }
0x3c: {  	p2 =	seq.s32 s10, $0x1;
	s10 =	sld [smem:$0x3FB6]  }
0x3d: {  	_ =	shalt  }
0x3e: {  	_ =	shalt  }
0x3f: {  	_ =	shalt  }
0x40: {  	_ =	shalt  }
0x41: {  	_ =	shalt  }
0x42: {  	_ =	shalt  }
0x43: {  	_ =	shalt  }
0x44: {  	_ =	shalt  }
0x45: {  	_ =	shalt  }
0x46: {  	_ =	shalt  }
0x47: {  	_ =	shalt  }
0x48: {  	_ =	shalt  }
0x49: {  	_ =	shalt  }
0x4a: {  	_ =	shalt  }
0x4b: {  	_ =	shalt  }
0x4c: {  	_ =	shalt  }
0x4d: {  	_ =	shalt  }
0x4e: {  	_ =	shalt  }
0x4f: {  	_ =	shalt  }
0x50: {  	_ =	shalt  }
0x51: {  	_ =	shalt  }
0x52: {  	_ =	shalt  }
0x53: {  	_ =	shalt  }
0x54: {  	_ =	shalt  }
0x55: {  	_ =	shalt  }
0x56: {  	_ =	shalt  }
0x57: {  	_ =	shalt  }
0x58: {  	_ =	shalt  }
0x59: {  	_ =	shalt  }
0x5a: {  	_ =	shalt  }
0x5b: {  	_ =	shalt  }
0x5c: {  	_ =	shalt  }
0x5d: {  	_ =	shalt  }
0x5e: {  	_ =	shalt  }
0x5f: {  	_ =	shalt  }
0x60: {  	_ =	shalt  }
0x61: {  	_ =	shalt  }
0x62: {  	_ =	shalt  }
0x63: {  	_ =	shalt  }
0x64: {  	_ =	shalt  }
0x65: {  	_ =	shalt  }
0x66: {  	_ =	shalt  }
0x67: {  	_ =	shalt  }
0x68: {  	_ =	shalt  }
0x69: {  	_ =	shalt  }
0x6a: {  	_ =	shalt  }
0x6b: {  	_ =	shalt  }
0x6c: {  	_ =	shalt  }
0x6d: {  	_ =	shalt  }
0x6e: {  	_ =	shalt  }
0x6f: {  	_ =	shalt  }
0x70: {  	_ =	shalt  }
0x71: {  	_ =	shalt  }
0x72: {  	_ =	shalt  }
0x73: {  	_ =	shalt  }
0x74: {  	_ =	shalt  }
0x75: {  	_ =	shalt  }
0x76: {  	_ =	shalt  }
0x77: {  	_ =	shalt  }
0x78: {  	_ =	shalt  }
0x79: {  	_ =	shalt  }
0x7a: {  	_ =	shalt  }
0x7b: {  	_ =	shalt  }
0x7c: {  	_ =	shalt  }
0x7d: {  	_ =	shalt  }
0x7e: {  	_ =	shalt  }
0x7f: {  	_ =	shalt  }
0x80: {  	_ =	shalt  }
0x81: {  	_ =	shalt  }
0x82: {  	_ =	shalt  }
0x83: {  	_ =	shalt  }
0x84: {  	_ =	shalt  }
0x85: {  	_ =	shalt  }
0x86: {  	_ =	shalt  }
0x87: {  	_ =	shalt  }
.Lfunc_end0:
.L_simem_size_0:
called_computation_lowered:
.L_overlay_start_0:
0x88: {  	s2 =	sld [smem:$0x3FD9]  }
0x89: {  	s3 =	sld [smem:$0x3FFE];
	_ =	sdelay $0x1  }
0x8a: {  	s1 =	srdreg.scid  }
0x8b: {  	s0 =	sand.u32 $0x1, s1  }
0x8c: {  	s17 =	sshll.u32 s0, $0xA;
	s2 =	sadd.s32 s3, s2  }
0x8d: {  	s2 =	sadd.s32 s2, s17  }
0x8e: {  	[smem:$0x3FC2] =	sst s2  }
0x8f: {  	_ = 	snop  }
0x90: {  	s2 =	sld [smem:$0x3FC9]  }
0x91: {  	s18 =	sld [smem:$0x3FC6];
	(tm) =	ssettm $0x1  }
0x92: {  	s4 =	sld [smem:$0x3FFB];
	_ =	sdelay $0x3  }
0x93: {  	_ =	strace s4  }
0x94: {  	s4 =	sld [smem:$0x3FFC];
	_ =	sdelay $0x3  }
0x95: {  	_ =	strace s4  }
0x96: {  	s4 =	sld [smem:$0x3FFD];
	_ =	sdelay $0x3  }
0x97: {  	_ =	strace s4  }
0x98: {  	_ =	strace $0x8FFFFFFF  }
0x99: {  	s19 =	sld [smem:$0x3FDB];
	_ =	sdelay $0x1  }
0x9a: {  	s5 =	simm.s32 $_scs_section_size  }
0x9b: {  	s6 =	simm.s32 $_size__tile_overlayer_lowered;
	s7 =	simm.s32 $_tile_overlayer_lowered  }
0x9c: {  	s22 =	simm.s32 $0x1BFF;
	s21 =	sshll.u32 s7, $0x1;
	s4 =	sadd.s32 s5, s19  }
0x9d: {  	s8 =	simm.s32 $0x0;
	s20 =	sshll.u32 s6, $0x1;
	s6 =	sadd.s32 s21, s4  }
0x9e: {  	[timem:s8], [sflag:s22] =	dma.local [hbm:s6], s20  }
0x9f: {  	_ =	swait.ge [sflag:s22], s20  }
0xa0: {  	s5 =	ssub.s32 $0x0, s20;
	[sflag:s22] =	ssyncset.done $0x0  }
0xa1: {  	[sflag:s22] =	ssyncadd.s32 s5;
	_ =	sdelay $0x1  }
0xa2: {  	s23 =	simm.s32 $0x1B8B  }
0xa3: {  	_ =	swait.ge [sflag:s23], $0x1  }
0xa4: {  	[sflag:s23] =	ssyncset.done $0x0  }
0xa5: {  	s25 =	simm.s32 $0x1B8E;
	s24 =	sld [smem:$0x3FFE];
	[sflag:s23] =	ssyncadd.s32 $0xFFFFFFFF  }
0xa6: {  	s26 =	simm.s32 $execute0_lowered;
	[smem:$0x3FD2] =	sst s25  }
0xa7: {  	s6 =	sshll.u32 s26, $0x1;
	_ =	strace $0x80000046;
	[dreg:$0x1] =	wrdreg $0xFFFFFFFF  }
0xa8: {  	s28 =	simm.s32 $_size_execute0_lowered;
	s4 =	sadd.s32 s4, s6;
	[dreg:$0x0] =	wrdreg $0x0  }
0xa9: {  	s6 =	sshll.u32 s28, $0x1;
	[dreg:$0x2] =	wrdreg s4  }
0xaa: {  	[dreg:$0x3] =	wrdreg s6  }
0xab: {  	[dreg:$0x4] =	wrdreg $0xC0  }
0xac: {  	_ =	task [dreg:s8], $0x5FFFF  }
0xad: {  	[dreg:$0x1] =	wrdreg $0xFFFFFFFF  }
0xae: {  	[dreg:$0x0] =	wrdreg $0x60  }
0xaf: {  	[dreg:$0x2] =	wrdreg s18  }
0xb0: {  	[dreg:$0x3] =	wrdreg s2  }
0xb1: {  	[dreg:$0x4] =	wrdreg s24  }
0xb2: {  	[dreg:$0x5] =	wrdreg $0x80800  }
0xb3: {  	[dreg:$0x6] =	wrdreg $0x9  }
0xb4: {  	_ =	task.clear_ibuf [dreg:s8], $0x7FFFF;
	_ =	strace $0x90000046  }
0xb5: {  	s29 =	simm.s32 $0x9;
	_ =	strace $0x80000048  }
0xb6: {  	_ =	swait.ge [sflag:s29], $0x1  }
0xb7: {  	[sflag:s29] =	ssyncadd.s32 $0xFFFFFFFF  }
0xb8: {  	_ =	strace $0x90000048  }
0xb9: {  	_ =	sfence  }
0xba: {  	s30 =	sld [smem:$0x0];
	_ =	sdelay $0x2  }
0xbb: {  	s31 =	sshll.u32 s1, $0xD;
	s1 =	sshrl.u32 s1, $0x2  }
0xbc: {  	s3 =	sand.u32 $0x4000, s31;
	s1 =	sadd.s32 s1, s30  }
0xbd: {  	s0 =	sor.u32 s3, s0;
	s1 =	sshll.u32 s1, $0x11  }
0xbe: {  	s0 =	sor.u32 s1, s0  }
0xbf: {  	s0 =	sadd.s32 $0x8F2B, s0  }
0xc0: {  	[sflag:s0] =	ssyncadd.remote.s32 $0x1  }
0xc1: {  	_ =	sfence.sel $0xFFFF  }
0xc2: {  	[dreg:$0x0] =	wrdreg $0xFFFFFFFF;
	(pc) =	sbr.abs _section_cstart, $3  }
0xc3: {  	[dreg:$0x1] =	wrdreg $0xFFFFFFFF  }
0xc4: {  	_ =	task.clear_ibuf [dreg:s8], $0x2FFFF;
	_ =	strace $0x9FFFFFFF  }
0xc5: {  	(tm) =	ssettm $0x7FFFFFFF  }
tec
execute0_lowered:
.L_overlay_start_1:
0x0: {  	(tag) =	ssettag $0x1  }
0x1: {  	s1 =	rddreg [dreg:$0x0]  }
0x2: {  	s2 =	rddreg [dreg:$0x1]  }
0x3: {  	s0 =	rddreg [dreg:$0x2]  }
0x4: {  	s3 =	rddreg [dreg:$0x3];
	s8 =	stileid.u32  }
0x5: {  	s4 =	srdreg.scid;
	s9 =	simm.s32 $0x0;
	s6 =	smul.u32 $0x13C00, s8  }
0x6: {  	s4 =	sand.u32 $0x1, s4;
	s7 =	sshll.u32 s8, $0x1;
	s8 =	smul.u32 $0x4F000, s8  }
0x7: {  	[smem:$0x7FF] =	sst s9;
	s5 =	smul.u32 $0x13C000, s4  }
0x8: {  	s7 =	sor.u32 s4, s7;
	s4 =	ssub.s32 $0x2, s4;
	s26 =	sshrl.u32 s8, $0x2  }
0x9: {  	_ =	strace $0x80000047;
	s28 =	sshrl.u32 s4, $0x1;
	s13 =	sadd.s32 s26, s3  }
0xa: {  	s4 =	ssub.s32 s4, s28;
	s11 =	sadd.s32 $0x12C00, s13;
	[dreg:$0x6] =	wrdreg s13  }
0xb: {  	s12 =	smax.u32 s4, $0x1;
	[dreg:$0x7] =	wrdreg s11  }
0xc: {  	s14 =	sadd.s32 $0x1400, s13;
	[dreg:$0xa] =	wrdreg s12  }
0xd: {  	s15 =	sadd.s32 $0x2800, s13;
	[dreg:$0xb] =	wrdreg s14  }
0xe: {  	s29 =	simm.s32 $0x28;
	s16 =	sadd.s32 $0x3C00, s13;
	[dreg:$0xc] =	wrdreg s15  }
0xf: {  	s31 =	simm.s32 $0x5800;
	s17 =	sadd.s32 $0x5000, s13;
	[dreg:$0xd] =	wrdreg s16  }
0x10: {  	s30 =	simm.s32 $0x1C00;
	s18 =	sadd.s32 $0x6400, s13;
	[dreg:$0xe] =	wrdreg s17  }
0x11: {  	s7 =	smul.u32 $0x1F400, s7;
	s19 =	sadd.s32 $0x7800, s13;
	[dreg:$0xf] =	wrdreg s18  }
0x12: {  	s8 =	simm.s32 $0x800;
	s20 =	sadd.s32 $0x8C00, s13;
	[dreg:$0x10] =	wrdreg s19  }
0x13: {  	s5 =	sadd.s32 s6, s5;
	s21 =	sadd.s32 $0xA000, s13;
	[dreg:$0x11] =	wrdreg s20  }
0x14: {  	s6 =	sadd.s32 $0x600, s0;
	s22 =	sadd.s32 $0xB400, s13;
	[dreg:$0x12] =	wrdreg s21  }
0x15: {  	s5 =	sshrl.u32 s5, $0x3;
	s23 =	sadd.s32 $0xC800, s13;
	[dreg:$0x13] =	wrdreg s22  }
0x16: {  	s10 =	sshrl.u32 s7, $0x3;
	s24 =	sadd.s32 $0xDC00, s13;
	[dreg:$0x14] =	wrdreg s23  }
0x17: {  	s25 =	sadd.s32 $0xF000, s13;
	s26 =	sadd.s32 $0x10400, s13;
	[dreg:$0x15] =	wrdreg s24  }
0x18: {  	s28 =	sadd.s32 $0x11800, s13;
	s4 =	simm.s32 $0x8;
	[dreg:$0x16] =	wrdreg s25  }
0x19: {  	s0 =	sadd.s32 s5, s0;
	s5 =	sadd.s32 s6, s10;
	[dreg:$0x17] =	wrdreg s26  }
0x1a: {  	s10 =	sadd.s32 $0x400, s7;
	s11 =	sadd.s32 $0x800, s7;
	[dreg:$0x18] =	wrdreg s28  }
0x1b: {  	s12 =	simm.s32 $0x3000;
	s14 =	simm.s32 $0x180;
	s15 =	simm.s32 $0x4400  }
0x1c: {  	s16 =	simm.s32 $0x400;
	s17 =	simm.s32 $0x1;
	s18 =	simm.s32 $0x3  }
0x1d: {  	s19 =	simm.s32 $0x5;
	s20 =	simm.s32 $0x7;
	s22 =	simm.s32 $0x200  }
0x1e: {  	s23 =	simm.s32 $0x2;
	s24 =	simm.s32 $0x4;
	s25 =	simm.s32 $0x6  }
0x1f: {  	v2 =	vlaneseq.u32;
	v3 =	vimm.f32 $0.0e+00;
	s7 =	simm.s32 $0x280;
	[dreg:$0x8] =	wrdreg s5;
	s0 =	sadd.s32 $0x7D600, s0  }
0x20: {  	v0 =	vor.u32 $0x2710, v2;
	v1 =	vor.u32 $0x2720, v2;
	v2 =	vadd.s32 $0x2728, v2;
	s26 =	simm.s32 $0x0;
	[dreg:$0x9] =	wrdreg s0;
	s0 =	simm.s32 $0x6C00  }
.LBB2_1:
0x21: {  	[tilespmem:$0x8000] =	vst v0  }
0x22: {  	[tilespmem:$0x8010] =	vst v1  }
0x23: {  	s5 =	simm.s32 $0x8000;
	[tilespmem:$0x8018] =	vst v2  }
0x24: {  	[spmem:s3] =	stream.indirect.scatter.add.f32 [tilespmem:s31], [sflag:$0x5], $0x80, s5, s29, $0xb8;
	[tilespmem:$0x1BC80] =	vst v63  }
0x25: {  	_ = 	snop  }
0x26: {  	[spmem:s3] =	stream.indirect.scatter.add.f32 [tilespmem:s0], [sflag:$0x6], $0x80, s5, s29, $0xb8;
	[tilespmem:$0x1BC80] =	vst v63  }
0x27: {  	[dreg:$0x5] =	wrdreg s9;
	s9 =	simm.s32 $0x200;
	s5 =	simm.s32 $0x0  }
.LBB2_2:
0x28: {  	p0 =	sne.s32 s9, $0x4E00;
	[tilespmem:s5+$0x5870] =	vst v3  }
0x29: {  	[tilespmem:s5+$0x5800] =	vst v3  }
0x2a: {  	[tilespmem:s5+$0x5810] =	vst v3  }
.Ltmp0:
0x2b: {  	[tilespmem:s5+$0x5820] =	vst v3;
	(pc) =	sbr.rel @p0 .LBB2_2-.Ltmp0, $4  }
0x2c: {  	[tilespmem:s5+$0x5830] =	vst v3  }
0x2d: {  	[tilespmem:s5+$0x5840] =	vst v3  }
0x2e: {  	[tilespmem:s5+$0x5850] =	vst v3  }
0x2f: {  	[tilespmem:s5+$0x5860] =	vst v3;
	s5 =	sshra.s32 s9, $0x2;
	s9 =	sadd.s32 $0x200, s9  }
0x30: {  	[tilespmem:s5+$0x5870] =	vst v3  }
0x31: {  	[tilespmem:s5+$0x5800] =	vst v3  }
0x32: {  	[tilespmem:s5+$0x5810] =	vst v3  }
0x33: {  	[tilespmem:s5+$0x5820] =	vst v3  }
0x34: {  	[tilespmem:s5+$0x5830] =	vst v3  }
0x35: {  	[tilespmem:s5+$0x5840] =	vst v3  }
0x36: {  	[tilespmem:s5+$0x5850] =	vst v3  }
0x37: {  	[tilespmem:s5+$0x5860] =	vst v3  }
0x38: {  	[spmem:s13] =	stream.linear.scatter [tilespmem:s31], [sflag:$0x8], $0x1400, $0x38;
	[tilespmem:$0x1BC80] =	vst v63  }
0x39: {  	_ =	swait.ge [sflag:s4], $0x1400  }
0x3a: {  	[sflag:s4] =	ssyncset.done $0x0  }
0x3b: {  	s9 =	rddreg [dreg:$0xb];
	[sflag:s4] =	ssyncadd.s32 $0xFFFFEC00  }
0x3c: {  	[spmem:s9] =	stream.linear.scatter [tilespmem:s31], [sflag:$0x8], $0x1400, $0x38;
	[tilespmem:$0x1BC80] =	vst v63  }
0x3d: {  	_ =	swait.ge [sflag:s4], $0x1400  }
0x3e: {  	[sflag:s4] =	ssyncset.done $0x0  }
0x3f: {  	s13 =	rddreg [dreg:$0xc];
	[sflag:s4] =	ssyncadd.s32 $0xFFFFEC00  }
0x40: {  	[spmem:s13] =	stream.linear.scatter [tilespmem:s31], [sflag:$0x8], $0x1400, $0x38;
	[tilespmem:$0x1BC80] =	vst v63  }
0x41: {  	_ =	swait.ge [sflag:s4], $0x1400  }
0x42: {  	[sflag:s4] =	ssyncset.done $0x0  }
0x43: {  	s21 =	rddreg [dreg:$0xd];
	[sflag:s4] =	ssyncadd.s32 $0xFFFFEC00  }
0x44: {  	[spmem:s21] =	stream.linear.scatter [tilespmem:s31], [sflag:$0x8], $0x1400, $0x38;
	[tilespmem:$0x1BC80] =	vst v63  }
0x45: {  	_ =	swait.ge [sflag:s4], $0x1400  }
0x46: {  	[sflag:s4] =	ssyncset.done $0x0  }
0x47: {  	s9 =	rddreg [dreg:$0xe];
	[sflag:s4] =	ssyncadd.s32 $0xFFFFEC00  }
0x48: {  	[spmem:s9] =	stream.linear.scatter [tilespmem:s31], [sflag:$0x8], $0x1400, $0x38;
	[tilespmem:$0x1BC80] =	vst v63  }
0x49: {  	_ =	swait.ge [sflag:s4], $0x1400  }
0x4a: {  	[sflag:s4] =	ssyncset.done $0x0  }
0x4b: {  	s13 =	rddreg [dreg:$0xf];
	[sflag:s4] =	ssyncadd.s32 $0xFFFFEC00  }
0x4c: {  	[spmem:s13] =	stream.linear.scatter [tilespmem:s31], [sflag:$0x8], $0x1400, $0x38;
	[tilespmem:$0x1BC80] =	vst v63  }
0x4d: {  	_ =	swait.ge [sflag:s4], $0x1400  }
0x4e: {  	[sflag:s4] =	ssyncset.done $0x0  }
0x4f: {  	s21 =	rddreg [dreg:$0x10];
	[sflag:s4] =	ssyncadd.s32 $0xFFFFEC00  }
0x50: {  	[spmem:s21] =	stream.linear.scatter [tilespmem:s31], [sflag:$0x8], $0x1400, $0x38;
	[tilespmem:$0x1BC80] =	vst v63  }
0x51: {  	_ =	swait.ge [sflag:s4], $0x1400  }
0x52: {  	[sflag:s4] =	ssyncset.done $0x0  }
0x53: {  	s9 =	rddreg [dreg:$0x11];
	[sflag:s4] =	ssyncadd.s32 $0xFFFFEC00  }
0x54: {  	[spmem:s9] =	stream.linear.scatter [tilespmem:s31], [sflag:$0x8], $0x1400, $0x38;
	[tilespmem:$0x1BC80] =	vst v63  }
0x55: {  	_ =	swait.ge [sflag:s4], $0x1400  }
0x56: {  	[sflag:s4] =	ssyncset.done $0x0  }
0x57: {  	s13 =	rddreg [dreg:$0x12];
	[sflag:s4] =	ssyncadd.s32 $0xFFFFEC00  }
0x58: {  	[spmem:s13] =	stream.linear.scatter [tilespmem:s31], [sflag:$0x8], $0x1400, $0x38;
	[tilespmem:$0x1BC80] =	vst v63  }
0x59: {  	_ =	swait.ge [sflag:s4], $0x1400  }
0x5a: {  	[sflag:s4] =	ssyncset.done $0x0  }
0x5b: {  	s21 =	rddreg [dreg:$0x13];
	[sflag:s4] =	ssyncadd.s32 $0xFFFFEC00  }
0x5c: {  	[spmem:s21] =	stream.linear.scatter [tilespmem:s31], [sflag:$0x8], $0x1400, $0x38;
	[tilespmem:$0x1BC80] =	vst v63  }
0x5d: {  	_ =	swait.ge [sflag:s4], $0x1400  }
0x5e: {  	[sflag:s4] =	ssyncset.done $0x0  }
0x5f: {  	s9 =	rddreg [dreg:$0x14];
	[sflag:s4] =	ssyncadd.s32 $0xFFFFEC00  }
0x60: {  	[spmem:s9] =	stream.linear.scatter [tilespmem:s31], [sflag:$0x8], $0x1400, $0x38;
	[tilespmem:$0x1BC80] =	vst v63  }
0x61: {  	_ =	swait.ge [sflag:s4], $0x1400  }
0x62: {  	[sflag:s4] =	ssyncset.done $0x0  }
0x63: {  	s13 =	rddreg [dreg:$0x15];
	[sflag:s4] =	ssyncadd.s32 $0xFFFFEC00  }
0x64: {  	[spmem:s13] =	stream.linear.scatter [tilespmem:s31], [sflag:$0x8], $0x1400, $0x38;
	[tilespmem:$0x1BC80] =	vst v63  }
0x65: {  	_ =	swait.ge [sflag:s4], $0x1400  }
0x66: {  	[sflag:s4] =	ssyncset.done $0x0  }
0x67: {  	s21 =	rddreg [dreg:$0x16];
	[sflag:s4] =	ssyncadd.s32 $0xFFFFEC00  }
0x68: {  	[spmem:s21] =	stream.linear.scatter [tilespmem:s31], [sflag:$0x8], $0x1400, $0x38;
	[tilespmem:$0x1BC80] =	vst v63  }
0x69: {  	_ =	swait.ge [sflag:s4], $0x1400  }
0x6a: {  	[sflag:s4] =	ssyncset.done $0x0  }
0x6b: {  	s9 =	rddreg [dreg:$0x17];
	[sflag:s4] =	ssyncadd.s32 $0xFFFFEC00  }
0x6c: {  	[spmem:s9] =	stream.linear.scatter [tilespmem:s31], [sflag:$0x8], $0x1400, $0x38;
	[tilespmem:$0x1BC80] =	vst v63  }
0x6d: {  	_ =	swait.ge [sflag:s4], $0x1400  }
0x6e: {  	[sflag:s4] =	ssyncset.done $0x0  }
0x6f: {  	s13 =	rddreg [dreg:$0x18];
	[sflag:s4] =	ssyncadd.s32 $0xFFFFEC00  }
0x70: {  	[spmem:s13] =	stream.linear.scatter [tilespmem:s31], [sflag:$0x8], $0x1400, $0x38;
	[tilespmem:$0x1BC80] =	vst v63  }
0x71: {  	_ =	swait.ge [sflag:s4], $0x1400  }
0x72: {  	[sflag:s4] =	ssyncset.done $0x0  }
0x73: {  	s21 =	rddreg [dreg:$0x7];
	[sflag:s4] =	ssyncadd.s32 $0xFFFFEC00  }
0x74: {  	[spmem:s21] =	stream.linear.scatter [tilespmem:s31], [sflag:$0x8], $0x1000, $0x38;
	[tilespmem:$0x1BC80] =	vst v63  }
0x75: {  	_ =	swait.ge [sflag:s4], $0x1000  }
0x76: {  	[sflag:s4] =	ssyncset.done $0x0  }
0x77: {  	[sflag:s4] =	ssyncadd.s32 $0xFFFFF000  }
0x78: {  	[bflag:$0x0] =	sbarrier.arrive $0xFFFF  }
0x79: {  	s9 =	rddreg [dreg:$0x8]  }
0x7a: {  	[tilespmem:s26], [sflag:$0x8] =	stream.linear.gather [hbm4b:s9+s26], $0x300, $0x38;
	[tilespmem:$0x1BC80] =	vst v63  }
0x7b: {  	_ =	swait.ge [sflag:s4], $0x300  }
0x7c: {  	[sflag:s4] =	ssyncset.done $0x0  }
0x7d: {  	[sflag:s4] =	ssyncadd.s32 $0xFFFFFD00  }
0x7e: {  	[tilespmem:s8], [sflag:$0x1] =	stream.indirect.gather [hbm4b:s1+s29], $0x80, s26, s29, $0xb8;
	[tilespmem:$0x1BC80] =	vst v63  }
0x7f: {  	s13 =	simm.s32 $0x100  }
0x80: {  	[tilespmem:s12], [sflag:$0x3] =	stream.indirect.gather [hbm4b:s2+s29], $0x80, s13, s29, $0xb8;
	[tilespmem:$0x1BC80] =	vst v63  }
0x81: {  	s21 =	simm.s32 $0x80  }
0x82: {  	[tilespmem:s30], [sflag:$0x2] =	stream.indirect.gather [hbm4b:s1+s29], $0x80, s21, s29, $0xb8;
	[tilespmem:$0x1BC80] =	vst v63  }
0x83: {  	s28 =	simm.s32 $0x0  }
0x84: {  	[tilespmem:s15], [sflag:$0x4] =	stream.indirect.gather [hbm4b:s2+s29], $0x80, s14, s29, $0xb8;
	[tilespmem:$0x1BC80] =	vst v63  }
.LBB2_4:
0x85: {  	s5 =	sshll.u32 s28, $0xB  }
0x86: {  	s9 =	sadd.s32 s5, s10  }
0x87: {  	s9 =	sshrl.u32 s9, $0x3  }
0x88: {  	s9 =	sadd.s32 s6, s9  }
0x89: {  	[tilespmem:s16], [sflag:$0x7] =	stream.linear.gather [hbm4b:s9+s26], $0x300, $0x38;
	[tilespmem:$0x1BC80] =	vst v63  }
0x8a: {  	_ =	swait.ge [sflag:s17], $0x1400  }
0x8b: {  	[sflag:s17] =	ssyncset.done $0x0  }
0x8c: {  	[sflag:s17] =	ssyncadd.s32 $0xFFFFEC00  }
0x8d: {  	_ =	swait.ge [sflag:s18], $0x1400  }
0x8e: {  	[sflag:s18] =	ssyncset.done $0x0  }
0x8f: {  	[sflag:s18] =	ssyncadd.s32 $0xFFFFEC00  }
0x90: {  	_ =	swait.ge [sflag:s19], $0x1400  }
0x91: {  	[sflag:s19] =	ssyncset.done $0x0  }
0x92: {  	s21 =	simm.s32 $0x0;
	[sflag:s19] =	ssyncadd.s32 $0xFFFFEC00  }
0x93: {  	v4 =	vld [tilespmem:s21+$0x870]  }
0x94: {  	v5 =	vld [tilespmem:s21+$0x3070]  }
0x95: {  	v6 =	vld [tilespmem:s21+$0x800]  }
0x96: {  	v7 =	vld [tilespmem:s21+$0x3000]  }
0x97: {  	v8 =	vld [tilespmem:s21+$0x810]  }
0x98: {  	v9 =	vld [tilespmem:s21+$0x3010]  }
0x99: {  	v10 =	vld [tilespmem:s21+$0x820]  }
0x9a: {  	v11 =	vld [tilespmem:s21+$0x830]  }
0x9b: {  	v4 =	vmul.f32 v5, v4;
	v5 =	vld [tilespmem:s21+$0x3020]  }
0x9c: {  	v12 =	vld [tilespmem:s21+$0x3030]  }
0x9d: {  	v13 =	vld [tilespmem:s21+$0x3040];
	v6 =	vmul.f32 v7, v6  }
0x9e: {  	[tilespmem:s21+$0x5870] =	vst v4;
	v4 =	vmul.f32 v9, v8;
	v9 =	vld [tilespmem:s21+$0x840]  }
0x9f: {  	v7 =	vld [tilespmem:s21+$0x3050];
	[tilespmem:s21+$0x5800] =	vst v6  }
0xa0: {  	v6 =	vld [tilespmem:s21+$0x850];
	[tilespmem:s21+$0x5810] =	vst v4;
	v4 =	vmul.f32 v5, v10  }
0xa1: {  	v8 =	vld [tilespmem:s21+$0x3060];
	v10 =	vmul.f32 v12, v11  }
0xa2: {  	s9 =	simm.s32 $0x80;
	[tilespmem:s21+$0x5820] =	vst v4;
	v4 =	vld [tilespmem:s21+$0x860]  }
0xa3: {  	s13 =	simm.s32 $0x400;
	v9 =	vmul.f32 v13, v9;
	v5 =	vld [tilespmem:s9+$0x870];
	[tilespmem:s21+$0x5830] =	vst v10  }
.LBB2_5:
0xa4: {  	p0 =	sne.s32 s13, $0x4E00;
	v10 =	vld [tilespmem:s9+$0x3070]  }
0xa5: {  	v11 =	vld [tilespmem:s9+$0x800];
	[tilespmem:s21+$0x5840] =	vst v9;
	v6 =	vmul.f32 v7, v6  }
0xa6: {  	v7 =	vld [tilespmem:s9+$0x3000]  }
0xa7: {  	v9 =	vld [tilespmem:s9+$0x810];
	[tilespmem:s21+$0x5850] =	vst v6;
	v4 =	vmul.f32 v8, v4  }
0xa8: {  	v6 =	vld [tilespmem:s9+$0x3010]  }
0xa9: {  	v8 =	vld [tilespmem:s9+$0x820];
	v5 =	vmul.f32 v10, v5;
	[tilespmem:s21+$0x5860] =	vst v4;
	s21 =	smov.u32 s9  }
0xaa: {  	v4 =	vld [tilespmem:s21+$0x3020]  }
0xab: {  	v7 =	vmul.f32 v7, v11;
	v10 =	vld [tilespmem:s21+$0x830];
	[tilespmem:s21+$0x5870] =	vst v5  }
0xac: {  	v5 =	vld [tilespmem:s21+$0x3030]  }
0xad: {  	[tilespmem:s21+$0x5800] =	vst v7;
	v6 =	vmul.f32 v6, v9;
	v9 =	vld [tilespmem:s21+$0x840]  }
0xae: {  	v11 =	vld [tilespmem:s21+$0x3040]  }
.Ltmp1:
0xaf: {  	[tilespmem:s21+$0x5810] =	vst v6;
	v4 =	vmul.f32 v4, v8;
	v6 =	vld [tilespmem:s21+$0x850];
	(pc) =	sbr.rel @p0 .LBB2_5-.Ltmp1, $4  }
0xb0: {  	v7 =	vld [tilespmem:s21+$0x3050]  }
0xb1: {  	[tilespmem:s21+$0x5820] =	vst v4;
	v10 =	vmul.f32 v5, v10;
	v4 =	vld [tilespmem:s21+$0x860]  }
0xb2: {  	s9 =	sshra.s32 s13, $0x2;
	v8 =	vld [tilespmem:s21+$0x3060]  }
0xb3: {  	s13 =	sadd.s32 $0x200, s13;
	v5 =	vld [tilespmem:s9+$0x870];
	[tilespmem:s21+$0x5830] =	vst v10;
	v9 =	vmul.f32 v11, v9  }
0xb4: {  	v10 =	vld [tilespmem:s9+$0x3070]  }
0xb5: {  	v11 =	vld [tilespmem:s9+$0x800];
	[tilespmem:s21+$0x5840] =	vst v9;
	v6 =	vmul.f32 v7, v6  }
0xb6: {  	v7 =	vld [tilespmem:s9+$0x3000]  }
0xb7: {  	v9 =	vld [tilespmem:s9+$0x810];
	[tilespmem:s21+$0x5850] =	vst v6;
	v4 =	vmul.f32 v8, v4  }
0xb8: {  	v6 =	vld [tilespmem:s9+$0x3010]  }
0xb9: {  	v8 =	vld [tilespmem:s9+$0x820];
	[tilespmem:s21+$0x5860] =	vst v4  }
0xba: {  	v4 =	vmul.f32 v10, v5;
	v5 =	vld [tilespmem:s9+$0x3020]  }
0xbb: {  	v10 =	vld [tilespmem:s9+$0x830]  }
0xbc: {  	v7 =	vmul.f32 v7, v11;
	[tilespmem:s9+$0x5870] =	vst v4;
	v4 =	vld [tilespmem:s9+$0x3030]  }
0xbd: {  	v11 =	vld [tilespmem:s9+$0x3060]  }
0xbe: {  	[tilespmem:s9+$0x5800] =	vst v7;
	v6 =	vmul.f32 v6, v9;
	v7 =	vld [tilespmem:s9+$0x840]  }
0xbf: {  	v9 =	vld [tilespmem:s9+$0x3040]  }
0xc0: {  	[tilespmem:s9+$0x5810] =	vst v6;
	v5 =	vmul.f32 v5, v8;
	v6 =	vld [tilespmem:s9+$0x850]  }
0xc1: {  	v8 =	vld [tilespmem:s9+$0x3050]  }
0xc2: {  	[tilespmem:s9+$0x5820] =	vst v5;
	v5 =	vld [tilespmem:s9+$0x860];
	_ =	sdelay $0x1  }
0xc3: {  	v4 =	vmul.f32 v4, v10  }
0xc4: {  	v7 =	vmul.f32 v9, v7  }
0xc5: {  	[tilespmem:s9+$0x5830] =	vst v4;
	v4 =	vmul.f32 v8, v6  }
0xc6: {  	[tilespmem:s9+$0x5840] =	vst v7;
	v5 =	vmul.f32 v11, v5  }
0xc7: {  	[tilespmem:s9+$0x5850] =	vst v4  }
0xc8: {  	[tilespmem:s9+$0x5860] =	vst v5  }
0xc9: {  	_ =	swait.ge [sflag:s20], $0x300  }
0xca: {  	[sflag:s20] =	ssyncset.done $0x0  }
0xcb: {  	[sflag:s20] =	ssyncadd.s32 $0xFFFFFD00  }
0xcc: {  	[tilespmem:s8], [sflag:$0x1] =	stream.indirect.gather [hbm4b:s1+s29], $0x80, s16, s29, $0xb8;
	[tilespmem:$0x1BC80] =	vst v63  }
0xcd: {  	s21 =	simm.s32 $0x500  }
0xce: {  	[tilespmem:s12], [sflag:$0x3] =	stream.indirect.gather [hbm4b:s2+s29], $0x80, s21, s29, $0xb8;
	[tilespmem:$0x1BC80] =	vst v63  }
0xcf: {  	_ = 	snop  }
0xd0: {  	[spmem:s3] =	stream.indirect.scatter.add.f32 [tilespmem:s31], [sflag:$0x5], $0x80, s22, s29, $0xb8;
	[tilespmem:$0x1BC80] =	vst v63  }
0xd1: {  	_ =	swait.ge [sflag:s23], $0x1400  }
0xd2: {  	[sflag:s23] =	ssyncset.done $0x0  }
0xd3: {  	[sflag:s23] =	ssyncadd.s32 $0xFFFFEC00  }
0xd4: {  	_ =	swait.ge [sflag:s24], $0x1400  }
0xd5: {  	[sflag:s24] =	ssyncset.done $0x0  }
0xd6: {  	[sflag:s24] =	ssyncadd.s32 $0xFFFFEC00  }
0xd7: {  	_ =	swait.ge [sflag:s25], $0x1400  }
0xd8: {  	[sflag:s25] =	ssyncset.done $0x0  }
0xd9: {  	s21 =	simm.s32 $0x0;
	[sflag:s25] =	ssyncadd.s32 $0xFFFFEC00  }
0xda: {  	v4 =	vld [tilespmem:s21+$0x1C70]  }
0xdb: {  	v5 =	vld [tilespmem:s21+$0x4470]  }
0xdc: {  	v6 =	vld [tilespmem:s21+$0x1C00]  }
0xdd: {  	v7 =	vld [tilespmem:s21+$0x4400]  }
0xde: {  	v8 =	vld [tilespmem:s21+$0x1C10]  }
0xdf: {  	v9 =	vld [tilespmem:s21+$0x4410]  }
0xe0: {  	v10 =	vld [tilespmem:s21+$0x1C20]  }
0xe1: {  	v11 =	vld [tilespmem:s21+$0x1C30]  }
0xe2: {  	v4 =	vmul.f32 v5, v4;
	v5 =	vld [tilespmem:s21+$0x4420]  }
0xe3: {  	v12 =	vld [tilespmem:s21+$0x4430]  }
0xe4: {  	v13 =	vld [tilespmem:s21+$0x4440];
	v6 =	vmul.f32 v7, v6  }
0xe5: {  	[tilespmem:s21+$0x6C70] =	vst v4;
	v4 =	vmul.f32 v9, v8;
	v9 =	vld [tilespmem:s21+$0x1C40]  }
0xe6: {  	v7 =	vld [tilespmem:s21+$0x4450];
	[tilespmem:s21+$0x6C00] =	vst v6  }
0xe7: {  	v6 =	vld [tilespmem:s21+$0x1C50];
	[tilespmem:s21+$0x6C10] =	vst v4;
	v4 =	vmul.f32 v5, v10  }
0xe8: {  	v8 =	vld [tilespmem:s21+$0x4460];
	v10 =	vmul.f32 v12, v11  }
0xe9: {  	s9 =	simm.s32 $0x80;
	[tilespmem:s21+$0x6C20] =	vst v4;
	v4 =	vld [tilespmem:s21+$0x1C60]  }
0xea: {  	s13 =	simm.s32 $0x400;
	v9 =	vmul.f32 v13, v9;
	v5 =	vld [tilespmem:s9+$0x1C70];
	[tilespmem:s21+$0x6C30] =	vst v10  }
.LBB2_7:
0xeb: {  	p0 =	sne.s32 s13, $0x4E00;
	v10 =	vld [tilespmem:s9+$0x4470]  }
0xec: {  	v11 =	vld [tilespmem:s9+$0x1C00];
	[tilespmem:s21+$0x6C40] =	vst v9;
	v6 =	vmul.f32 v7, v6  }
0xed: {  	v7 =	vld [tilespmem:s9+$0x4400]  }
0xee: {  	v9 =	vld [tilespmem:s9+$0x1C10];
	[tilespmem:s21+$0x6C50] =	vst v6;
	v4 =	vmul.f32 v8, v4  }
0xef: {  	v6 =	vld [tilespmem:s9+$0x4410]  }
0xf0: {  	v8 =	vld [tilespmem:s9+$0x1C20];
	v5 =	vmul.f32 v10, v5;
	[tilespmem:s21+$0x6C60] =	vst v4;
	s21 =	smov.u32 s9  }
0xf1: {  	v4 =	vld [tilespmem:s21+$0x4420]  }
0xf2: {  	v7 =	vmul.f32 v7, v11;
	v10 =	vld [tilespmem:s21+$0x1C30];
	[tilespmem:s21+$0x6C70] =	vst v5  }
0xf3: {  	v5 =	vld [tilespmem:s21+$0x4430]  }
0xf4: {  	[tilespmem:s21+$0x6C00] =	vst v7;
	v6 =	vmul.f32 v6, v9;
	v9 =	vld [tilespmem:s21+$0x1C40]  }
0xf5: {  	v11 =	vld [tilespmem:s21+$0x4440]  }
.Ltmp2:
0xf6: {  	[tilespmem:s21+$0x6C10] =	vst v6;
	v4 =	vmul.f32 v4, v8;
	v6 =	vld [tilespmem:s21+$0x1C50];
	(pc) =	sbr.rel @p0 .LBB2_7-.Ltmp2, $4  }
0xf7: {  	v7 =	vld [tilespmem:s21+$0x4450]  }
0xf8: {  	[tilespmem:s21+$0x6C20] =	vst v4;
	v10 =	vmul.f32 v5, v10;
	v4 =	vld [tilespmem:s21+$0x1C60]  }
0xf9: {  	s9 =	sshra.s32 s13, $0x2;
	v8 =	vld [tilespmem:s21+$0x4460]  }
0xfa: {  	s13 =	sadd.s32 $0x200, s13;
	v5 =	vld [tilespmem:s9+$0x1C70];
	[tilespmem:s21+$0x6C30] =	vst v10;
	v9 =	vmul.f32 v11, v9  }
0xfb: {  	v10 =	vld [tilespmem:s9+$0x4470]  }
0xfc: {  	v11 =	vld [tilespmem:s9+$0x1C00];
	[tilespmem:s21+$0x6C40] =	vst v9;
	v6 =	vmul.f32 v7, v6  }
0xfd: {  	v7 =	vld [tilespmem:s9+$0x4400]  }
0xfe: {  	v9 =	vld [tilespmem:s9+$0x1C10];
	[tilespmem:s21+$0x6C50] =	vst v6;
	v4 =	vmul.f32 v8, v4  }
0xff: {  	v6 =	vld [tilespmem:s9+$0x4410]  }
0x100: {  	v8 =	vld [tilespmem:s9+$0x1C20];
	[tilespmem:s21+$0x6C60] =	vst v4  }
0x101: {  	v4 =	vmul.f32 v10, v5;
	v5 =	vld [tilespmem:s9+$0x4420]  }
0x102: {  	v10 =	vld [tilespmem:s9+$0x1C30]  }
0x103: {  	v7 =	vmul.f32 v7, v11;
	[tilespmem:s9+$0x6C70] =	vst v4;
	v4 =	vld [tilespmem:s9+$0x4430]  }
0x104: {  	v11 =	vld [tilespmem:s9+$0x4460]  }
0x105: {  	[tilespmem:s9+$0x6C00] =	vst v7;
	v6 =	vmul.f32 v6, v9;
	v7 =	vld [tilespmem:s9+$0x1C40]  }
0x106: {  	v9 =	vld [tilespmem:s9+$0x4440]  }
0x107: {  	[tilespmem:s9+$0x6C10] =	vst v6;
	v5 =	vmul.f32 v5, v8;
	v6 =	vld [tilespmem:s9+$0x1C50]  }
0x108: {  	v8 =	vld [tilespmem:s9+$0x4450]  }
0x109: {  	[tilespmem:s9+$0x6C20] =	vst v5;
	v5 =	vld [tilespmem:s9+$0x1C60];
	_ =	sdelay $0x1  }
0x10a: {  	v4 =	vmul.f32 v4, v10  }
0x10b: {  	v7 =	vmul.f32 v9, v7  }
0x10c: {  	[tilespmem:s9+$0x6C30] =	vst v4;
	v4 =	vmul.f32 v8, v6  }
0x10d: {  	[tilespmem:s9+$0x6C40] =	vst v7;
	v5 =	vmul.f32 v11, v5  }
0x10e: {  	[tilespmem:s9+$0x6C50] =	vst v4  }
0x10f: {  	s21 =	simm.s32 $0x480;
	[tilespmem:s9+$0x6C60] =	vst v5  }
0x110: {  	[tilespmem:s30], [sflag:$0x2] =	stream.indirect.gather [hbm4b:s1+s29], $0x80, s21, s29, $0xb8;
	[tilespmem:$0x1BC80] =	vst v63  }
0x111: {  	s13 =	simm.s32 $0x580;
	s5 =	sadd.s32 s5, s11  }
0x112: {  	[tilespmem:s15], [sflag:$0x4] =	stream.indirect.gather [hbm4b:s2+s29], $0x80, s13, s29, $0xb8;
	[tilespmem:$0x1BC80] =	vst v63  }
0x113: {  	s5 =	sshrl.u32 s5, $0x3  }
0x114: {  	[spmem:s3] =	stream.indirect.scatter.add.f32 [tilespmem:s0], [sflag:$0x6], $0x80, s7, s29, $0xb8;
	[tilespmem:$0x1BC80] =	vst v63  }
0x115: {  	s5 =	sadd.s32 s6, s5;
	s21 =	simm.s32 $0x0  }
0x116: {  	[tilespmem:s21], [sflag:$0x7] =	stream.linear.gather [hbm4b:s5+s21], $0x300, $0x38;
	[tilespmem:$0x1BC80] =	vst v63  }
0x117: {  	_ =	swait.ge [sflag:s17], $0x1400  }
0x118: {  	[sflag:s17] =	ssyncset.done $0x0  }
0x119: {  	[sflag:s17] =	ssyncadd.s32 $0xFFFFEC00  }
0x11a: {  	_ =	swait.ge [sflag:s18], $0x1400  }
0x11b: {  	[sflag:s18] =	ssyncset.done $0x0  }
0x11c: {  	[sflag:s18] =	ssyncadd.s32 $0xFFFFEC00  }
0x11d: {  	_ =	swait.ge [sflag:s19], $0x1400  }
0x11e: {  	[sflag:s19] =	ssyncset.done $0x0  }
0x11f: {  	s5 =	simm.s32 $0x0;
	[sflag:s19] =	ssyncadd.s32 $0xFFFFEC00  }
0x120: {  	v4 =	vld [tilespmem:s5+$0x870]  }
0x121: {  	v5 =	vld [tilespmem:s5+$0x3070]  }
0x122: {  	v6 =	vld [tilespmem:s5+$0x800]  }
0x123: {  	v7 =	vld [tilespmem:s5+$0x3000]  }
0x124: {  	v8 =	vld [tilespmem:s5+$0x810]  }
0x125: {  	v9 =	vld [tilespmem:s5+$0x3010]  }
0x126: {  	v10 =	vld [tilespmem:s5+$0x820]  }
0x127: {  	v11 =	vld [tilespmem:s5+$0x830]  }
0x128: {  	v4 =	vmul.f32 v5, v4;
	v5 =	vld [tilespmem:s5+$0x3020]  }
0x129: {  	v12 =	vld [tilespmem:s5+$0x3030]  }
0x12a: {  	v13 =	vld [tilespmem:s5+$0x3040];
	v6 =	vmul.f32 v7, v6  }
0x12b: {  	[tilespmem:s5+$0x5870] =	vst v4;
	v4 =	vmul.f32 v9, v8;
	v9 =	vld [tilespmem:s5+$0x840]  }
0x12c: {  	v7 =	vld [tilespmem:s5+$0x3050];
	[tilespmem:s5+$0x5800] =	vst v6  }
0x12d: {  	v6 =	vld [tilespmem:s5+$0x850];
	[tilespmem:s5+$0x5810] =	vst v4;
	v4 =	vmul.f32 v5, v10  }
0x12e: {  	v8 =	vld [tilespmem:s5+$0x3060];
	v10 =	vmul.f32 v12, v11  }
0x12f: {  	s9 =	simm.s32 $0x80;
	[tilespmem:s5+$0x5820] =	vst v4;
	v4 =	vld [tilespmem:s5+$0x860]  }
0x130: {  	s13 =	simm.s32 $0x400;
	v9 =	vmul.f32 v13, v9;
	v5 =	vld [tilespmem:s9+$0x870];
	[tilespmem:s5+$0x5830] =	vst v10  }
.LBB2_9:
0x131: {  	p0 =	sne.s32 s13, $0x4E00;
	v10 =	vld [tilespmem:s9+$0x3070]  }
0x132: {  	v11 =	vld [tilespmem:s9+$0x800];
	[tilespmem:s5+$0x5840] =	vst v9;
	v6 =	vmul.f32 v7, v6  }
0x133: {  	v7 =	vld [tilespmem:s9+$0x3000]  }
0x134: {  	v9 =	vld [tilespmem:s9+$0x810];
	[tilespmem:s5+$0x5850] =	vst v6;
	v4 =	vmul.f32 v8, v4  }
0x135: {  	v6 =	vld [tilespmem:s9+$0x3010]  }
0x136: {  	v8 =	vld [tilespmem:s9+$0x820];
	v5 =	vmul.f32 v10, v5;
	[tilespmem:s5+$0x5860] =	vst v4;
	s5 =	smov.u32 s9  }
0x137: {  	v4 =	vld [tilespmem:s5+$0x3020]  }
0x138: {  	v7 =	vmul.f32 v7, v11;
	v10 =	vld [tilespmem:s5+$0x830];
	[tilespmem:s5+$0x5870] =	vst v5  }
0x139: {  	v5 =	vld [tilespmem:s5+$0x3030]  }
0x13a: {  	[tilespmem:s5+$0x5800] =	vst v7;
	v6 =	vmul.f32 v6, v9;
	v9 =	vld [tilespmem:s5+$0x840]  }
0x13b: {  	v11 =	vld [tilespmem:s5+$0x3040]  }
.Ltmp3:
0x13c: {  	[tilespmem:s5+$0x5810] =	vst v6;
	v4 =	vmul.f32 v4, v8;
	v6 =	vld [tilespmem:s5+$0x850];
	(pc) =	sbr.rel @p0 .LBB2_9-.Ltmp3, $4  }
0x13d: {  	v7 =	vld [tilespmem:s5+$0x3050]  }
0x13e: {  	[tilespmem:s5+$0x5820] =	vst v4;
	v10 =	vmul.f32 v5, v10;
	v4 =	vld [tilespmem:s5+$0x860]  }
0x13f: {  	s9 =	sshra.s32 s13, $0x2;
	v8 =	vld [tilespmem:s5+$0x3060]  }
0x140: {  	s13 =	sadd.s32 $0x200, s13;
	v5 =	vld [tilespmem:s9+$0x870];
	[tilespmem:s5+$0x5830] =	vst v10;
	v9 =	vmul.f32 v11, v9  }
0x141: {  	v10 =	vld [tilespmem:s9+$0x3070]  }
0x142: {  	v11 =	vld [tilespmem:s9+$0x800];
	[tilespmem:s5+$0x5840] =	vst v9;
	v6 =	vmul.f32 v7, v6  }
0x143: {  	v7 =	vld [tilespmem:s9+$0x3000]  }
0x144: {  	v9 =	vld [tilespmem:s9+$0x810];
	[tilespmem:s5+$0x5850] =	vst v6;
	v4 =	vmul.f32 v8, v4  }
0x145: {  	v6 =	vld [tilespmem:s9+$0x3010]  }
0x146: {  	v8 =	vld [tilespmem:s9+$0x820];
	[tilespmem:s5+$0x5860] =	vst v4  }
0x147: {  	v4 =	vmul.f32 v10, v5;
	v5 =	vld [tilespmem:s9+$0x3020]  }
0x148: {  	v10 =	vld [tilespmem:s9+$0x830]  }
0x149: {  	v7 =	vmul.f32 v7, v11;
	[tilespmem:s9+$0x5870] =	vst v4;
	v4 =	vld [tilespmem:s9+$0x3030]  }
0x14a: {  	v11 =	vld [tilespmem:s9+$0x3060]  }
0x14b: {  	[tilespmem:s9+$0x5800] =	vst v7;
	v6 =	vmul.f32 v6, v9;
	v7 =	vld [tilespmem:s9+$0x840]  }
0x14c: {  	v9 =	vld [tilespmem:s9+$0x3040]  }
0x14d: {  	[tilespmem:s9+$0x5810] =	vst v6;
	v5 =	vmul.f32 v5, v8;
	v6 =	vld [tilespmem:s9+$0x850]  }
0x14e: {  	v8 =	vld [tilespmem:s9+$0x3050]  }
0x14f: {  	[tilespmem:s9+$0x5820] =	vst v5;
	v5 =	vld [tilespmem:s9+$0x860];
	_ =	sdelay $0x1  }
0x150: {  	v4 =	vmul.f32 v4, v10  }
0x151: {  	v7 =	vmul.f32 v9, v7  }
0x152: {  	[tilespmem:s9+$0x5830] =	vst v4;
	v4 =	vmul.f32 v8, v6  }
0x153: {  	[tilespmem:s9+$0x5840] =	vst v7;
	v5 =	vmul.f32 v11, v5  }
0x154: {  	[tilespmem:s9+$0x5850] =	vst v4  }
0x155: {  	[tilespmem:s9+$0x5860] =	vst v5  }
0x156: {  	_ =	swait.ge [sflag:s20], $0x300  }
0x157: {  	[sflag:s20] =	ssyncset.done $0x0  }
0x158: {  	s9 =	simm.s32 $0x0;
	[sflag:s20] =	ssyncadd.s32 $0xFFFFFD00  }
0x159: {  	[tilespmem:s8], [sflag:$0x1] =	stream.indirect.gather [hbm4b:s1+s29], $0x80, s9, s29, $0xb8;
	[tilespmem:$0x1BC80] =	vst v63  }
0x15a: {  	s13 =	simm.s32 $0x100  }
0x15b: {  	[tilespmem:s12], [sflag:$0x3] =	stream.indirect.gather [hbm4b:s2+s29], $0x80, s13, s29, $0xb8;
	[tilespmem:$0x1BC80] =	vst v63  }
0x15c: {  	s21 =	simm.s32 $0x600  }
0x15d: {  	[spmem:s3] =	stream.indirect.scatter.add.f32 [tilespmem:s31], [sflag:$0x5], $0x80, s21, s29, $0xb8;
	[tilespmem:$0x1BC80] =	vst v63  }
0x15e: {  	_ =	swait.ge [sflag:s23], $0x1400  }
0x15f: {  	[sflag:s23] =	ssyncset.done $0x0  }
0x160: {  	[sflag:s23] =	ssyncadd.s32 $0xFFFFEC00  }
0x161: {  	_ =	swait.ge [sflag:s24], $0x1400  }
0x162: {  	[sflag:s24] =	ssyncset.done $0x0  }
0x163: {  	[sflag:s24] =	ssyncadd.s32 $0xFFFFEC00  }
0x164: {  	_ =	swait.ge [sflag:s25], $0x1400  }
0x165: {  	[sflag:s25] =	ssyncset.done $0x0  }
0x166: {  	s5 =	simm.s32 $0x0;
	[sflag:s25] =	ssyncadd.s32 $0xFFFFEC00  }
0x167: {  	v4 =	vld [tilespmem:s5+$0x1C70]  }
0x168: {  	v5 =	vld [tilespmem:s5+$0x4470]  }
0x169: {  	v6 =	vld [tilespmem:s5+$0x1C00]  }
0x16a: {  	v7 =	vld [tilespmem:s5+$0x4400]  }
0x16b: {  	v8 =	vld [tilespmem:s5+$0x1C10]  }
0x16c: {  	v9 =	vld [tilespmem:s5+$0x4410]  }
0x16d: {  	v10 =	vld [tilespmem:s5+$0x1C20]  }
0x16e: {  	v11 =	vld [tilespmem:s5+$0x1C30]  }
0x16f: {  	v4 =	vmul.f32 v5, v4;
	v5 =	vld [tilespmem:s5+$0x4420]  }
0x170: {  	v12 =	vld [tilespmem:s5+$0x4430]  }
0x171: {  	v13 =	vld [tilespmem:s5+$0x4440];
	v6 =	vmul.f32 v7, v6  }
0x172: {  	[tilespmem:s5+$0x6C70] =	vst v4;
	v4 =	vmul.f32 v9, v8;
	v9 =	vld [tilespmem:s5+$0x1C40]  }
0x173: {  	v7 =	vld [tilespmem:s5+$0x4450];
	[tilespmem:s5+$0x6C00] =	vst v6  }
0x174: {  	v6 =	vld [tilespmem:s5+$0x1C50];
	[tilespmem:s5+$0x6C10] =	vst v4;
	v4 =	vmul.f32 v5, v10  }
0x175: {  	v8 =	vld [tilespmem:s5+$0x4460];
	v10 =	vmul.f32 v12, v11  }
0x176: {  	s9 =	simm.s32 $0x80;
	[tilespmem:s5+$0x6C20] =	vst v4;
	v4 =	vld [tilespmem:s5+$0x1C60]  }
0x177: {  	s13 =	simm.s32 $0x400;
	v9 =	vmul.f32 v13, v9;
	v5 =	vld [tilespmem:s9+$0x1C70];
	[tilespmem:s5+$0x6C30] =	vst v10  }
.LBB2_11:
0x178: {  	p0 =	sne.s32 s13, $0x4E00;
	v10 =	vld [tilespmem:s9+$0x4470]  }
0x179: {  	v11 =	vld [tilespmem:s9+$0x1C00];
	[tilespmem:s5+$0x6C40] =	vst v9;
	v6 =	vmul.f32 v7, v6  }
0x17a: {  	v7 =	vld [tilespmem:s9+$0x4400]  }
0x17b: {  	v9 =	vld [tilespmem:s9+$0x1C10];
	[tilespmem:s5+$0x6C50] =	vst v6;
	v4 =	vmul.f32 v8, v4  }
0x17c: {  	v6 =	vld [tilespmem:s9+$0x4410]  }
0x17d: {  	v8 =	vld [tilespmem:s9+$0x1C20];
	v5 =	vmul.f32 v10, v5;
	[tilespmem:s5+$0x6C60] =	vst v4;
	s5 =	smov.u32 s9  }
0x17e: {  	v4 =	vld [tilespmem:s5+$0x4420]  }
0x17f: {  	v7 =	vmul.f32 v7, v11;
	v10 =	vld [tilespmem:s5+$0x1C30];
	[tilespmem:s5+$0x6C70] =	vst v5  }
0x180: {  	v5 =	vld [tilespmem:s5+$0x4430]  }
0x181: {  	[tilespmem:s5+$0x6C00] =	vst v7;
	v6 =	vmul.f32 v6, v9;
	v9 =	vld [tilespmem:s5+$0x1C40]  }
0x182: {  	v11 =	vld [tilespmem:s5+$0x4440]  }
.Ltmp4:
0x183: {  	[tilespmem:s5+$0x6C10] =	vst v6;
	v4 =	vmul.f32 v4, v8;
	v6 =	vld [tilespmem:s5+$0x1C50];
	(pc) =	sbr.rel @p0 .LBB2_11-.Ltmp4, $4  }
0x184: {  	v7 =	vld [tilespmem:s5+$0x4450]  }
0x185: {  	[tilespmem:s5+$0x6C20] =	vst v4;
	v10 =	vmul.f32 v5, v10;
	v4 =	vld [tilespmem:s5+$0x1C60]  }
0x186: {  	s9 =	sshra.s32 s13, $0x2;
	v8 =	vld [tilespmem:s5+$0x4460]  }
0x187: {  	s13 =	sadd.s32 $0x200, s13;
	v5 =	vld [tilespmem:s9+$0x1C70];
	[tilespmem:s5+$0x6C30] =	vst v10;
	v9 =	vmul.f32 v11, v9  }
0x188: {  	v10 =	vld [tilespmem:s9+$0x4470]  }
0x189: {  	v11 =	vld [tilespmem:s9+$0x1C00];
	[tilespmem:s5+$0x6C40] =	vst v9;
	v6 =	vmul.f32 v7, v6  }
0x18a: {  	v56 =	vld [tilespmem:s9+$0x4400]  }
0x18b: {  	v9 =	vld [tilespmem:s9+$0x1C10];
	[tilespmem:s5+$0x6C50] =	vst v6;
	v4 =	vmul.f32 v8, v4  }
0x18c: {  	v6 =	vld [tilespmem:s9+$0x4410]  }
0x18d: {  	v57 =	vld [tilespmem:s9+$0x1C20];
	[tilespmem:s5+$0x6C60] =	vst v4  }
0x18e: {  	v4 =	vmul.f32 v10, v5;
	v5 =	vld [tilespmem:s9+$0x4420]  }
0x18f: {  	v58 =	vld [tilespmem:s9+$0x1C30]  }
0x190: {  	v59 =	vld [tilespmem:s9+$0x1C40]  }
0x191: {  	v60 =	vld [tilespmem:s9+$0x4440]  }
0x192: {  	v61 =	vld [tilespmem:s9+$0x1C50]  }
0x193: {  	[tilespmem:s9+$0x6C70] =	vst v4;
	v4 =	vld [tilespmem:s9+$0x4430]  }
0x194: {  	v62 =	vld [tilespmem:s9+$0x4450];
	v5 =	vmul.f32 v5, v57  }
0x195: {  	v63 =	vld [tilespmem:s9+$0x4460]  }
0x196: {  	v7 =	vmul.f32 v56, v11;
	[tilespmem:s9+$0x6C20] =	vst v5;
	v5 =	vld [tilespmem:s9+$0x1C60]  }
0x197: {  	v6 =	vmul.f32 v6, v9  }
0x198: {  	[tilespmem:s9+$0x6C00] =	vst v7;
	v4 =	vmul.f32 v4, v58  }
0x199: {  	[tilespmem:s9+$0x6C10] =	vst v6;
	v7 =	vmul.f32 v60, v59  }
0x19a: {  	[tilespmem:s9+$0x6C30] =	vst v4;
	v4 =	vmul.f32 v62, v61  }
0x19b: {  	[tilespmem:s9+$0x6C40] =	vst v7;
	v5 =	vmul.f32 v63, v5  }
0x19c: {  	s28 =	sadd.s32 $0x1, s28;
	[tilespmem:s9+$0x6C50] =	vst v4  }
0x19d: {  	s13 =	simm.s32 $0x80;
	p0 =	sne.s32 s28, $0x3E;
	[tilespmem:s9+$0x6C60] =	vst v5  }
0x19e: {  	[tilespmem:s30], [sflag:$0x2] =	stream.indirect.gather [hbm4b:s1+s29], $0x80, s13, s29, $0xb8;
	[tilespmem:$0x1BC80] =	vst v63  }
.Ltmp5:
0x19f: {  	_ = 	snop;
	(pc) =	sbr.rel @p0 .LBB2_4-.Ltmp5, $4  }
0x1a0: {  	_ = 	snop  }
0x1a1: {  	[tilespmem:s15], [sflag:$0x4] =	stream.indirect.gather [hbm4b:s2+s29], $0x80, s14, s29, $0xb8;
	[tilespmem:$0x1BC80] =	vst v63  }
0x1a2: {  	s21 =	simm.s32 $0x680  }
0x1a3: {  	[spmem:s3] =	stream.indirect.scatter.add.f32 [tilespmem:s0], [sflag:$0x6], $0x80, s21, s29, $0xb8;
	[tilespmem:$0x1BC80] =	vst v63  }
0x1a4: {  	_ =	swait.ge [sflag:s17], $0x1400  }
0x1a5: {  	[sflag:s17] =	ssyncset.done $0x0  }
0x1a6: {  	[sflag:s17] =	ssyncadd.s32 $0xFFFFEC00  }
0x1a7: {  	_ =	swait.ge [sflag:s18], $0x1400  }
0x1a8: {  	[sflag:s18] =	ssyncset.done $0x0  }
0x1a9: {  	[sflag:s18] =	ssyncadd.s32 $0xFFFFEC00  }
0x1aa: {  	_ =	swait.ge [sflag:s19], $0x1400  }
0x1ab: {  	[sflag:s19] =	ssyncset.done $0x0  }
0x1ac: {  	s5 =	simm.s32 $0x0;
	[sflag:s19] =	ssyncadd.s32 $0xFFFFEC00  }
0x1ad: {  	v4 =	vld [tilespmem:s5+$0x870]  }
0x1ae: {  	v5 =	vld [tilespmem:s5+$0x3070]  }
0x1af: {  	v6 =	vld [tilespmem:s5+$0x800]  }
0x1b0: {  	v7 =	vld [tilespmem:s5+$0x3000]  }
0x1b1: {  	v8 =	vld [tilespmem:s5+$0x810]  }
0x1b2: {  	v9 =	vld [tilespmem:s5+$0x3010]  }
0x1b3: {  	v10 =	vld [tilespmem:s5+$0x820]  }
0x1b4: {  	v11 =	vld [tilespmem:s5+$0x830]  }
0x1b5: {  	v4 =	vmul.f32 v5, v4;
	v5 =	vld [tilespmem:s5+$0x3020]  }
0x1b6: {  	v12 =	vld [tilespmem:s5+$0x3030]  }
0x1b7: {  	v13 =	vld [tilespmem:s5+$0x3040];
	v6 =	vmul.f32 v7, v6  }
0x1b8: {  	[tilespmem:s5+$0x5870] =	vst v4;
	v4 =	vmul.f32 v9, v8;
	v9 =	vld [tilespmem:s5+$0x840]  }
0x1b9: {  	v7 =	vld [tilespmem:s5+$0x3050];
	[tilespmem:s5+$0x5800] =	vst v6  }
0x1ba: {  	v6 =	vld [tilespmem:s5+$0x850];
	[tilespmem:s5+$0x5810] =	vst v4;
	v4 =	vmul.f32 v5, v10  }
0x1bb: {  	v8 =	vld [tilespmem:s5+$0x3060];
	v10 =	vmul.f32 v12, v11  }
0x1bc: {  	s9 =	simm.s32 $0x80;
	[tilespmem:s5+$0x5820] =	vst v4;
	v4 =	vld [tilespmem:s5+$0x860]  }
0x1bd: {  	s13 =	simm.s32 $0x400;
	v9 =	vmul.f32 v13, v9;
	v5 =	vld [tilespmem:s9+$0x870];
	[tilespmem:s5+$0x5830] =	vst v10  }
.LBB2_14:
0x1be: {  	p0 =	sne.s32 s13, $0x4E00;
	v10 =	vld [tilespmem:s9+$0x3070]  }
0x1bf: {  	v11 =	vld [tilespmem:s9+$0x800];
	[tilespmem:s5+$0x5840] =	vst v9;
	v6 =	vmul.f32 v7, v6  }
0x1c0: {  	v7 =	vld [tilespmem:s9+$0x3000]  }
0x1c1: {  	v9 =	vld [tilespmem:s9+$0x810];
	[tilespmem:s5+$0x5850] =	vst v6;
	v4 =	vmul.f32 v8, v4  }
0x1c2: {  	v6 =	vld [tilespmem:s9+$0x3010]  }
0x1c3: {  	v8 =	vld [tilespmem:s9+$0x820];
	v5 =	vmul.f32 v10, v5;
	[tilespmem:s5+$0x5860] =	vst v4;
	s5 =	smov.u32 s9  }
0x1c4: {  	v4 =	vld [tilespmem:s5+$0x3020]  }
0x1c5: {  	v7 =	vmul.f32 v7, v11;
	v10 =	vld [tilespmem:s5+$0x830];
	[tilespmem:s5+$0x5870] =	vst v5  }
0x1c6: {  	v5 =	vld [tilespmem:s5+$0x3030]  }
0x1c7: {  	[tilespmem:s5+$0x5800] =	vst v7;
	v6 =	vmul.f32 v6, v9;
	v9 =	vld [tilespmem:s5+$0x840]  }
0x1c8: {  	v11 =	vld [tilespmem:s5+$0x3040]  }
.Ltmp6:
0x1c9: {  	[tilespmem:s5+$0x5810] =	vst v6;
	v4 =	vmul.f32 v4, v8;
	v6 =	vld [tilespmem:s5+$0x850];
	(pc) =	sbr.rel @p0 .LBB2_14-.Ltmp6, $4  }
0x1ca: {  	v7 =	vld [tilespmem:s5+$0x3050]  }
0x1cb: {  	[tilespmem:s5+$0x5820] =	vst v4;
	v10 =	vmul.f32 v5, v10;
	v4 =	vld [tilespmem:s5+$0x860]  }
0x1cc: {  	s9 =	sshra.s32 s13, $0x2;
	v8 =	vld [tilespmem:s5+$0x3060]  }
0x1cd: {  	s13 =	sadd.s32 $0x200, s13;
	v5 =	vld [tilespmem:s9+$0x870];
	[tilespmem:s5+$0x5830] =	vst v10;
	v9 =	vmul.f32 v11, v9  }
0x1ce: {  	v10 =	vld [tilespmem:s9+$0x3070]  }
0x1cf: {  	v11 =	vld [tilespmem:s9+$0x800];
	[tilespmem:s5+$0x5840] =	vst v9;
	v6 =	vmul.f32 v7, v6  }
0x1d0: {  	v7 =	vld [tilespmem:s9+$0x3000]  }
0x1d1: {  	v9 =	vld [tilespmem:s9+$0x810];
	[tilespmem:s5+$0x5850] =	vst v6;
	v4 =	vmul.f32 v8, v4  }
0x1d2: {  	v6 =	vld [tilespmem:s9+$0x3010]  }
0x1d3: {  	v8 =	vld [tilespmem:s9+$0x820];
	[tilespmem:s5+$0x5860] =	vst v4  }
0x1d4: {  	v4 =	vmul.f32 v10, v5;
	v5 =	vld [tilespmem:s9+$0x3020]  }
0x1d5: {  	v10 =	vld [tilespmem:s9+$0x830]  }
0x1d6: {  	v7 =	vmul.f32 v7, v11;
	[tilespmem:s9+$0x5870] =	vst v4;
	v4 =	vld [tilespmem:s9+$0x3030]  }
0x1d7: {  	v11 =	vld [tilespmem:s9+$0x3060]  }
0x1d8: {  	[tilespmem:s9+$0x5800] =	vst v7;
	v6 =	vmul.f32 v6, v9;
	v7 =	vld [tilespmem:s9+$0x840]  }
0x1d9: {  	v9 =	vld [tilespmem:s9+$0x3040]  }
0x1da: {  	[tilespmem:s9+$0x5810] =	vst v6;
	v5 =	vmul.f32 v5, v8;
	v6 =	vld [tilespmem:s9+$0x850]  }
0x1db: {  	v8 =	vld [tilespmem:s9+$0x3050]  }
0x1dc: {  	[tilespmem:s9+$0x5820] =	vst v5;
	v5 =	vld [tilespmem:s9+$0x860];
	_ =	sdelay $0x1  }
0x1dd: {  	v4 =	vmul.f32 v4, v10  }
0x1de: {  	v7 =	vmul.f32 v9, v7  }
0x1df: {  	[tilespmem:s9+$0x5830] =	vst v4;
	v4 =	vmul.f32 v8, v6  }
0x1e0: {  	[tilespmem:s9+$0x5840] =	vst v7;
	v5 =	vmul.f32 v11, v5  }
0x1e1: {  	[tilespmem:s9+$0x5850] =	vst v4  }
0x1e2: {  	[tilespmem:s9+$0x5860] =	vst v5  }
0x1e3: {  	[spmem:s3] =	stream.indirect.scatter.add.f32 [tilespmem:s31], [sflag:$0x5], $0x80, s22, s29, $0xb8;
	[tilespmem:$0x1BC80] =	vst v63  }
0x1e4: {  	_ =	swait.ge [sflag:s23], $0x1400  }
0x1e5: {  	[sflag:s23] =	ssyncset.done $0x0  }
0x1e6: {  	[sflag:s23] =	ssyncadd.s32 $0xFFFFEC00  }
0x1e7: {  	_ =	swait.ge [sflag:s24], $0x1400  }
0x1e8: {  	[sflag:s24] =	ssyncset.done $0x0  }
0x1e9: {  	[sflag:s24] =	ssyncadd.s32 $0xFFFFEC00  }
0x1ea: {  	_ =	swait.ge [sflag:s25], $0x1400  }
0x1eb: {  	[sflag:s25] =	ssyncset.done $0x0  }
0x1ec: {  	s5 =	simm.s32 $0x0;
	[sflag:s25] =	ssyncadd.s32 $0xFFFFEC00  }
0x1ed: {  	v4 =	vld [tilespmem:s5+$0x1C70]  }
0x1ee: {  	v5 =	vld [tilespmem:s5+$0x4470]  }
0x1ef: {  	v6 =	vld [tilespmem:s5+$0x1C00]  }
0x1f0: {  	v7 =	vld [tilespmem:s5+$0x4400]  }
0x1f1: {  	v8 =	vld [tilespmem:s5+$0x1C10]  }
0x1f2: {  	v9 =	vld [tilespmem:s5+$0x4410]  }
0x1f3: {  	v10 =	vld [tilespmem:s5+$0x1C20]  }
0x1f4: {  	v11 =	vld [tilespmem:s5+$0x1C30]  }
0x1f5: {  	v4 =	vmul.f32 v5, v4;
	v5 =	vld [tilespmem:s5+$0x4420]  }
0x1f6: {  	v12 =	vld [tilespmem:s5+$0x4430]  }
0x1f7: {  	v13 =	vld [tilespmem:s5+$0x4440];
	v6 =	vmul.f32 v7, v6  }
0x1f8: {  	[tilespmem:s5+$0x6C70] =	vst v4;
	v4 =	vmul.f32 v9, v8;
	v9 =	vld [tilespmem:s5+$0x1C40]  }
0x1f9: {  	v7 =	vld [tilespmem:s5+$0x4450];
	[tilespmem:s5+$0x6C00] =	vst v6  }
0x1fa: {  	v6 =	vld [tilespmem:s5+$0x1C50];
	[tilespmem:s5+$0x6C10] =	vst v4;
	v4 =	vmul.f32 v5, v10  }
0x1fb: {  	v8 =	vld [tilespmem:s5+$0x4460];
	v10 =	vmul.f32 v12, v11  }
0x1fc: {  	s9 =	simm.s32 $0x80;
	[tilespmem:s5+$0x6C20] =	vst v4;
	v4 =	vld [tilespmem:s5+$0x1C60]  }
0x1fd: {  	s13 =	simm.s32 $0x400;
	v9 =	vmul.f32 v13, v9;
	v5 =	vld [tilespmem:s9+$0x1C70];
	[tilespmem:s5+$0x6C30] =	vst v10  }
.LBB2_16:
0x1fe: {  	p0 =	sne.s32 s13, $0x4E00;
	v10 =	vld [tilespmem:s9+$0x4470]  }
0x1ff: {  	v11 =	vld [tilespmem:s9+$0x1C00];
	[tilespmem:s5+$0x6C40] =	vst v9;
	v6 =	vmul.f32 v7, v6  }
0x200: {  	v7 =	vld [tilespmem:s9+$0x4400]  }
0x201: {  	v9 =	vld [tilespmem:s9+$0x1C10];
	[tilespmem:s5+$0x6C50] =	vst v6;
	v4 =	vmul.f32 v8, v4  }
0x202: {  	v6 =	vld [tilespmem:s9+$0x4410]  }
0x203: {  	v8 =	vld [tilespmem:s9+$0x1C20];
	v5 =	vmul.f32 v10, v5;
	[tilespmem:s5+$0x6C60] =	vst v4;
	s5 =	smov.u32 s9  }
0x204: {  	v4 =	vld [tilespmem:s5+$0x4420]  }
0x205: {  	v7 =	vmul.f32 v7, v11;
	v10 =	vld [tilespmem:s5+$0x1C30];
	[tilespmem:s5+$0x6C70] =	vst v5  }
0x206: {  	v5 =	vld [tilespmem:s5+$0x4430]  }
0x207: {  	[tilespmem:s5+$0x6C00] =	vst v7;
	v6 =	vmul.f32 v6, v9;
	v9 =	vld [tilespmem:s5+$0x1C40]  }
0x208: {  	v11 =	vld [tilespmem:s5+$0x4440]  }
.Ltmp7:
0x209: {  	[tilespmem:s5+$0x6C10] =	vst v6;
	v4 =	vmul.f32 v4, v8;
	v6 =	vld [tilespmem:s5+$0x1C50];
	(pc) =	sbr.rel @p0 .LBB2_16-.Ltmp7, $4  }
0x20a: {  	v7 =	vld [tilespmem:s5+$0x4450]  }
0x20b: {  	[tilespmem:s5+$0x6C20] =	vst v4;
	v10 =	vmul.f32 v5, v10;
	v4 =	vld [tilespmem:s5+$0x1C60]  }
0x20c: {  	s9 =	sshra.s32 s13, $0x2;
	v8 =	vld [tilespmem:s5+$0x4460]  }
0x20d: {  	s13 =	sadd.s32 $0x200, s13;
	v5 =	vld [tilespmem:s9+$0x1C70];
	[tilespmem:s5+$0x6C30] =	vst v10;
	v9 =	vmul.f32 v11, v9  }
0x20e: {  	v10 =	vld [tilespmem:s9+$0x4470]  }
0x20f: {  	v11 =	vld [tilespmem:s9+$0x1C00];
	[tilespmem:s5+$0x6C40] =	vst v9;
	v6 =	vmul.f32 v7, v6  }
0x210: {  	v56 =	vld [tilespmem:s9+$0x4400]  }
0x211: {  	v9 =	vld [tilespmem:s9+$0x1C10];
	[tilespmem:s5+$0x6C50] =	vst v6;
	v4 =	vmul.f32 v8, v4  }
0x212: {  	v6 =	vld [tilespmem:s9+$0x4410]  }
0x213: {  	v57 =	vld [tilespmem:s9+$0x1C20];
	[tilespmem:s5+$0x6C60] =	vst v4  }
0x214: {  	v4 =	vmul.f32 v10, v5;
	v5 =	vld [tilespmem:s9+$0x4420]  }
0x215: {  	v58 =	vld [tilespmem:s9+$0x1C30]  }
0x216: {  	v59 =	vld [tilespmem:s9+$0x1C40]  }
0x217: {  	v60 =	vld [tilespmem:s9+$0x4440]  }
0x218: {  	v61 =	vld [tilespmem:s9+$0x1C50]  }
0x219: {  	[tilespmem:s9+$0x6C70] =	vst v4;
	v4 =	vld [tilespmem:s9+$0x4430]  }
0x21a: {  	v62 =	vld [tilespmem:s9+$0x4450];
	v5 =	vmul.f32 v5, v57  }
0x21b: {  	v63 =	vld [tilespmem:s9+$0x4460]  }
0x21c: {  	v7 =	vmul.f32 v56, v11;
	[tilespmem:s9+$0x6C20] =	vst v5;
	v5 =	vld [tilespmem:s9+$0x1C60]  }
0x21d: {  	v6 =	vmul.f32 v6, v9  }
0x21e: {  	[tilespmem:s9+$0x6C00] =	vst v7;
	v4 =	vmul.f32 v4, v58  }
0x21f: {  	[tilespmem:s9+$0x6C10] =	vst v6;
	v7 =	vmul.f32 v60, v59  }
0x220: {  	[tilespmem:s9+$0x6C30] =	vst v4;
	v4 =	vmul.f32 v62, v61  }
0x221: {  	[tilespmem:s9+$0x6C40] =	vst v7;
	v5 =	vmul.f32 v63, v5  }
0x222: {  	[tilespmem:s9+$0x6C50] =	vst v4  }
0x223: {  	[tilespmem:s9+$0x6C60] =	vst v5  }
0x224: {  	[spmem:s3] =	stream.indirect.scatter.add.f32 [tilespmem:s0], [sflag:$0x6], $0x80, s7, s29, $0xb8;
	[tilespmem:$0x1BC80] =	vst v63  }
0x225: {  	_ =	swait.ge [sflag:s19], $0x1400  }
0x226: {  	[sflag:s19] =	ssyncset.done $0x0  }
0x227: {  	[sflag:s19] =	ssyncadd.s32 $0xFFFFEC00  }
0x228: {  	_ =	swait.ge [sflag:s25], $0x1400  }
0x229: {  	[sflag:s25] =	ssyncset.done $0x0  }
0x22a: {  	[sflag:s25] =	ssyncadd.s32 $0xFFFFEC00  }
0x22b: {  	s21 =	stileid.u32;
	[bflag:$0x0] =	sbarrier.arrive $0xFFFF  }
0x22c: {  	s5 =	sshll.u32 s21, $0x6;
	s13 =	rddreg [dreg:$0x6]  }
0x22d: {  	s5 =	sor.u32 $0x1C08, s5;
	s21 =	rddreg [dreg:$0x9];
	s28 =	sshrl.u32 s13, $0x3  }
0x22e: {  	[hbm:s21], [sflag:s5] =	dma.local [spmem:s28], $0x2780  }
0x22f: {  	_ =	swait.ge [sflag:s4], $0x2780  }
0x230: {  	s21 =	rddreg [dreg:$0x5]  }
0x231: {  	s28 =	rddreg [dreg:$0xa];
	s9 =	sadd.s32 $0x1, s21  }
0x232: {  	p0 =	sne.s32 s9, s28  }
.Ltmp8:
0x233: {  	_ = 	snop;
	(pc) =	sbr.rel @p0 .LBB2_1-.Ltmp8, $3  }
0x234: {  	_ =	sdelay $0x1  }
0x235: {  	[sflag:s4] =	ssyncset.done $0x0  }
0x236: {  	[sflag:s4] =	ssyncadd.s32 $0xFFFFD880  }
0x237: {  	_ =	sfence.sel $0x180000  }
0x238: {  	[bflag:$0x0] =	sbarrier.arrive $0xFFFF  }
0x239: {  	_ =	strace $0x90000047  }
0x23a: {  	s0 =	stileid.u32;
	[bflag:$0x2] =	sbarrier.arrive $0xFFFF  }
0x23b: {  	p0 =	sne.s32 s0, $0x0;
	s0 =	rddreg [dreg:$0x4]  }
0x23c: {  	s0 =	sadd.s32 @!p0 $0x100000, s0  }
0x23d: {  	[sflag:s0] =	ssyncadd.tile.s32 @!p0 $0x1;
	_ =	shalt  }
.Lfunc_end2:
_tile_overlayer_lowered:
.L_overlay_start_2:
0x23e: {  	(tag) =	ssettag $0x2  }
0x23f: {  	s0 =	rddreg [dreg:$0x0];
	s2 =	stileid.u32  }
0x240: {  	s1 =	rddreg [dreg:$0x1];
	p0 =	sne.s32 s2, $0x0  }
0x241: {  	s3 =	rddreg [dreg:$0x2];
	[bflag:$0x3] =	sbarrier.arrive $0xFFFF;
	s2 =	simm.s32 @!p0 $0x1C08  }
0x242: {  	[timem:s3], [sflag:s2] =	dma.local @!p0 [hbm:s0], s1  }
0x243: {  	s0 =	simm.s32 @!p0 $0x8  }
0x244: {  	_ =	swait.ge @!p0 [sflag:s0], s1  }
0x245: {  	s1 =	ssub.s32 @!p0 $0x0, s1;
	[sflag:s0] =	ssyncset.done @!p0 $0x0  }
0x246: {  	[sflag:s0] =	ssyncadd.s32 @!p0 s1  }
0x247: {  	[bflag:$0x3] =	sbarrier.arrive $0xFFFF  }
0x248: {  	_ =	shalt  }

</sc_bundles>
